<compile_context>
chip_gen: v7x
topology: tpu7x:2x2x1
jax: 0.10.2.dev20260603
libtpu: 0.0.44.dev20260713+nightly
codegen_flags: <defaults>
</compile_context>

<pallas_src>
import functools

import jax
import jax.numpy as jnp
from jax import lax
from jax.experimental import pallas as pl
from jax.experimental.pallas import tpu as pltpu
from jax.experimental.pallas import tpu_sc as plsc

B = 4096
F = 32
NC = 2
NS = 16
NW = NC * NS
BPW = B // NW
L = 16
GROUPS = BPW // L


def _sc_bias_sum(ub_g, ib_g):
  mesh = plsc.VectorSubcoreMesh(
      core_axis_name="c", subcore_axis_name="s",
      num_cores=NC, num_subcores=NS)

  @functools.partial(
      pl.kernel,
      out_type=jax.ShapeDtypeStruct((B,), jnp.float32),
      mesh=mesh,
      compiler_params=pltpu.CompilerParams(
          needs_layout_passes=False, use_tc_tiling_on_sc=False),
      scratch_types=[
          pltpu.VMEM((BPW,), jnp.float32),
          pltpu.VMEM((BPW,), jnp.float32),
          pltpu.VMEM((BPW,), jnp.float32),
      ],
  )
  def sc_kernel(ub_hbm, ib_hbm, s_out, ub_v, ib_v, s_v):
    wid = lax.axis_index("s") * NC + lax.axis_index("c")
    base = wid * BPW

    pltpu.sync_copy(ub_hbm.at[pl.ds(base, BPW)], ub_v)
    pltpu.sync_copy(ib_hbm.at[pl.ds(base, BPW)], ib_v)

    def group_body(g, carry):
      sl = pl.ds(g * L, L)
      s_v[sl] = ub_v[sl] + ib_v[sl]
      return carry

    lax.fori_loop(0, GROUPS, group_body, 0)
    pltpu.sync_copy(s_v, s_out.at[pl.ds(base, BPW)])

  return sc_kernel(ub_g, ib_g)


def _tc_dot_broadcast_body(ufT_ref, itT_ref, s_ref, out_ref):
  prod = ufT_ref[...] * itT_ref[...]
  dotrow = jnp.sum(prod, axis=0, keepdims=True)
  out_ref[...] = s_ref[...] + dotrow


def kernel(user_ids, item_ids, user_factors, item_factors, user_bias,
           item_bias):
  ufg = user_factors.at[user_ids].get(mode="promise_in_bounds")
  itg = item_factors.at[item_ids].get(mode="promise_in_bounds")
  zeros = jnp.zeros_like(user_ids)
  ub_g = user_bias.at[user_ids, zeros].get(mode="promise_in_bounds")
  ib_g = item_bias.at[item_ids, zeros].get(mode="promise_in_bounds")
  s = _sc_bias_sum(ub_g, ib_g)
  s2d = s.reshape(B, 1)

  BM = 512
  out = pl.pallas_call(
      _tc_dot_broadcast_body,
      grid=(B // BM,),
      in_specs=[
          pl.BlockSpec((F, B), lambda i: (0, 0)),
          pl.BlockSpec((F, B), lambda i: (0, 0)),
          pl.BlockSpec((BM, 1), lambda i: (i, 0)),
      ],
      out_specs=pl.BlockSpec((BM, B), lambda i: (i, 0)),
      out_shape=jax.ShapeDtypeStruct((B, B), jnp.float32),
      compiler_params=pltpu.CompilerParams(
          dimension_semantics=("parallel",)),
  )(ufg.T, itg.T, s2d)
  return out

# --- scband reference (transcript-rebuilt; emitter-appended) ---
"""Pipeline reference for scband-base-module-90572270338092 (READ-ONLY COPY).

The authoritative reference and input builder live on the scoring server;
editing this copy changes nothing except your own understanding.
"""

import jax, jax.numpy as jnp
import numpy as np

N_USERS = 1000000
N_ITEMS = 1000000
N_FACTORS = 32
BATCH = 4096


def setup_inputs(seed: int = 0) -> dict:
    key = jax.random.key(seed)
    k1, k2, k3, k4, k5, k6 = jax.random.split(key, 6)
    user_ids = jax.random.randint(k1, (BATCH,), 0, N_USERS, dtype=jnp.int64 if jax.config.jax_enable_x64 else jnp.int32)
    item_ids = jax.random.randint(k2, (BATCH,), 0, N_ITEMS, dtype=jnp.int64 if jax.config.jax_enable_x64 else jnp.int32)
    user_factors = jax.random.normal(k3, (N_USERS, N_FACTORS), dtype=jnp.float32) * 0.02
    item_factors = jax.random.normal(k4, (N_ITEMS, N_FACTORS), dtype=jnp.float32) * 0.02
    user_bias = jax.random.normal(k5, (N_USERS, 1), dtype=jnp.float32) * 0.02
    item_bias = jax.random.normal(k6, (N_ITEMS, 1), dtype=jnp.float32) * 0.02
    return {
        "user_ids": user_ids,
        "item_ids": item_ids,
        "user_factors": user_factors,
        "item_factors": item_factors,
        "user_bias": user_bias,
        "item_bias": item_bias,
    }


def reference(user_ids, item_ids, user_factors, item_factors, user_bias, item_bias):
    # Embedding lookups (gather rows)
    uf = jnp.take(user_factors, user_ids, axis=0).reshape(-1, N_FACTORS)
    itf = jnp.take(item_factors, item_ids, axis=0).reshape(-1, N_FACTORS)
    ub = jnp.take(user_bias, user_ids, axis=0).reshape(-1, 1)
    ib = jnp.take(item_bias, item_ids, axis=0).reshape(-1, 1)
    dot = jnp.sum(uf * itf, axis=1)  # [B]
    # Faithful to torch broadcasting: [B,1] + [B,1] -> [B,1]; [B,1] + [B] -> [B,B]
    prediction = ub + ib + dot
    return prediction

if __name__ == "__main__":
    import jax
    _d = setup_inputs()
    print(jax.jit(kernel)(*tuple(_d.values())))

</pallas_src>

<mosaic_0001>
#map = affine_map<(d0, d1) -> (0)>
module attributes {stable_mosaic.version = 14 : i64} {
  func.func @sc_kernel(%arg0: i32, %arg1: i32, %arg2: memref<4096xf32, #tpu.memory_space<hbm>>, %arg3: memref<4096xf32, #tpu.memory_space<hbm>>, %arg4: memref<4096xf32, #tpu.memory_space<hbm>>, %arg5: memref<128xf32, #tpu.memory_space<vmem>>, %arg6: memref<128xf32, #tpu.memory_space<vmem>>, %arg7: memref<128xf32, #tpu.memory_space<vmem>>) attributes {dimension_semantics = [#tpu.dimension_semantics<core_parallel>, #tpu.dimension_semantics<subcore_parallel>], iteration_bounds = array<i64: 2, 16>, scalar_prefetch = 0 : i64, scratch_operands = 3 : i64, tpu.core_type = #tpu.core_type<sc_vector_subcore>, window_params = [{transform_indices = #map}, {transform_indices = #map}, {transform_indices = #map}]} {
    %mul3A = arith.constant 2 : i32
    %mul3A_0 = arith.muli %arg1, %mul3A : i32
    %add3A = arith.addi %mul3A_0, %arg0 : i32
    %mul3A_1 = arith.constant 128 : i32
    %mul3A_2 = arith.muli %add3A, %mul3A_1 : i32
    "tpu.region"() ({
      %run_scoped3A = tpu.sem_alloc : memref<!tpu.dma_semaphore, #tpu.memory_space<semaphore_mem>>
      %dma_start3A = tpu.memref_slice %arg2[%mul3A_2] : memref<4096xf32, #tpu.memory_space<hbm>> -> memref<128xf32, #tpu.memory_space<hbm>>
      %dma_start3A_8 = tpu.memref_slice %arg2[%mul3A_2] : memref<4096xf32, #tpu.memory_space<hbm>> -> memref<128xf32, #tpu.memory_space<hbm>>
      tpu.enqueue_dma source(%dma_start3A_8 : memref<128xf32, #tpu.memory_space<hbm>>) target(%arg5 : memref<128xf32, #tpu.memory_space<vmem>>) target_semaphore(%run_scoped3A : memref<!tpu.dma_semaphore, #tpu.memory_space<semaphore_mem>>)
      %dma_wait3A = tpu.memref_slice %arg2[%mul3A_2] : memref<4096xf32, #tpu.memory_space<hbm>> -> memref<128xf32, #tpu.memory_space<hbm>>
      %dma_wait3A_9 = tpu.memref_slice %arg2[%mul3A_2] : memref<4096xf32, #tpu.memory_space<hbm>> -> memref<128xf32, #tpu.memory_space<hbm>>
      tpu.wait_dma2 semaphore(%run_scoped3A : memref<!tpu.dma_semaphore, #tpu.memory_space<semaphore_mem>>) src(%dma_wait3A_9 : memref<128xf32, #tpu.memory_space<hbm>>) dst(%arg5 : memref<128xf32, #tpu.memory_space<vmem>>)
      tpu.yield
    }) : () -> ()
    "tpu.region"() ({
      %run_scoped3A = tpu.sem_alloc : memref<!tpu.dma_semaphore, #tpu.memory_space<semaphore_mem>>
      %dma_start3A = tpu.memref_slice %arg3[%mul3A_2] : memref<4096xf32, #tpu.memory_space<hbm>> -> memref<128xf32, #tpu.memory_space<hbm>>
      %dma_start3A_8 = tpu.memref_slice %arg3[%mul3A_2] : memref<4096xf32, #tpu.memory_space<hbm>> -> memref<128xf32, #tpu.memory_space<hbm>>
      tpu.enqueue_dma source(%dma_start3A_8 : memref<128xf32, #tpu.memory_space<hbm>>) target(%arg6 : memref<128xf32, #tpu.memory_space<vmem>>) target_semaphore(%run_scoped3A : memref<!tpu.dma_semaphore, #tpu.memory_space<semaphore_mem>>)
      %dma_wait3A = tpu.memref_slice %arg3[%mul3A_2] : memref<4096xf32, #tpu.memory_space<hbm>> -> memref<128xf32, #tpu.memory_space<hbm>>
      %dma_wait3A_9 = tpu.memref_slice %arg3[%mul3A_2] : memref<4096xf32, #tpu.memory_space<hbm>> -> memref<128xf32, #tpu.memory_space<hbm>>
      tpu.wait_dma2 semaphore(%run_scoped3A : memref<!tpu.dma_semaphore, #tpu.memory_space<semaphore_mem>>) src(%dma_wait3A_9 : memref<128xf32, #tpu.memory_space<hbm>>) dst(%arg6 : memref<128xf32, #tpu.memory_space<vmem>>)
      tpu.yield
    }) : () -> ()
    %scan3A = arith.constant 0 : i32
    %scan3A_3 = arith.constant 0 : i32
    %scan3A_4 = arith.constant 8 : i32
    %scan3A_5 = arith.addi %scan3A_3, %scan3A_4 : i32
    %scan3A_6 = arith.constant 1 : i32
    scf.for %scan3A_8 = %scan3A_3 to %scan3A_5 step %scan3A_6  : i32 {
      %mul3A_9 = arith.constant 16 : i32
      %mul3A_10 = arith.muli %scan3A_8, %mul3A_9 : i32
      %get3A = arith.index_cast %mul3A_10 : i32 to index
      %get3A_11 = tpu.vector_load %arg5[%get3A] {strides = array<i32>} : memref<128xf32, #tpu.memory_space<vmem>>, vector<16xf32>,
      %get3A_12 = arith.index_cast %mul3A_10 : i32 to index
      %get3A_13 = tpu.vector_load %arg6[%get3A_12] {strides = array<i32>} : memref<128xf32, #tpu.memory_space<vmem>>, vector<16xf32>,
      %add3A_14 = arith.addf %get3A_11, %get3A_13 : vector<16xf32>
      %swap3A = arith.index_cast %mul3A_10 : i32 to index
      %swap3A_15 = tpu.vector_load %arg7[%swap3A] {strides = array<i32>} : memref<128xf32, #tpu.memory_space<vmem>>, vector<16xf32>,
      tpu.vector_store %arg7[%swap3A], %add3A_14 {strides = array<i32>} : memref<128xf32, #tpu.memory_space<vmem>>, vector<16xf32>,
    }
    %scan3A_7 = arith.constant 8 : i32
    "tpu.region"() ({
      %run_scoped3A = tpu.sem_alloc : memref<!tpu.dma_semaphore, #tpu.memory_space<semaphore_mem>>
      %dma_start3A = tpu.memref_slice %arg4[%mul3A_2] : memref<4096xf32, #tpu.memory_space<hbm>> -> memref<128xf32, #tpu.memory_space<hbm>>
      %dma_start3A_8 = tpu.memref_slice %arg4[%mul3A_2] : memref<4096xf32, #tpu.memory_space<hbm>> -> memref<128xf32, #tpu.memory_space<hbm>>
      tpu.enqueue_dma source(%arg7 : memref<128xf32, #tpu.memory_space<vmem>>) target(%dma_start3A_8 : memref<128xf32, #tpu.memory_space<hbm>>) target_semaphore(%run_scoped3A : memref<!tpu.dma_semaphore, #tpu.memory_space<semaphore_mem>>)
      %dma_wait3A = tpu.memref_slice %arg4[%mul3A_2] : memref<4096xf32, #tpu.memory_space<hbm>> -> memref<128xf32, #tpu.memory_space<hbm>>
      %dma_wait3A_9 = tpu.memref_slice %arg4[%mul3A_2] : memref<4096xf32, #tpu.memory_space<hbm>> -> memref<128xf32, #tpu.memory_space<hbm>>
      tpu.wait_dma2 semaphore(%run_scoped3A : memref<!tpu.dma_semaphore, #tpu.memory_space<semaphore_mem>>) src(%arg7 : memref<128xf32, #tpu.memory_space<vmem>>) dst(%dma_wait3A_9 : memref<128xf32, #tpu.memory_space<hbm>>)
      tpu.yield
    }) : () -> ()
    return
  }
}

module attributes {stable_mosaic.version = 14 : i64} {
  func.func @_tc_dot_broadcast_body(%arg0: i32, %arg1: memref<32x4096xf32, #tpu.memory_space<vmem>>, %arg2: memref<32x4096xf32, #tpu.memory_space<vmem>>, %arg3: memref<512x1xf32, #tpu.memory_space<vmem>>, %arg4: memref<512x4096xf32, #tpu.memory_space<vmem>>) attributes {dimension_semantics = [#tpu.dimension_semantics<parallel>], iteration_bounds = array<i64: 8>, scalar_prefetch = 0 : i64, scratch_operands = 0 : i64, tpu.core_type = #tpu.core_type<tc>, window_params = [{pipeline_mode = #tpu.pipeline_mode<synchronous>, transform_indices = @transform_0, window_bounds = array<i64: 32, 4096>}, {pipeline_mode = #tpu.pipeline_mode<synchronous>, transform_indices = @transform_1, window_bounds = array<i64: 32, 4096>}, {transform_indices = @transform_2, window_bounds = array<i64: 512, 1>}, {transform_indices = @transform_3, window_bounds = array<i64: 512, 4096>}]} {
    %get3A = arith.constant 0 : index
    %get3A_0 = arith.constant 0 : index
    %get3A_1 = vector.load %arg1[%get3A, %get3A_0] : memref<32x4096xf32, #tpu.memory_space<vmem>>, vector<32x4096xf32>
    %get3A_2 = arith.constant 0 : index
    %get3A_3 = arith.constant 0 : index
    %get3A_4 = vector.load %arg2[%get3A_2, %get3A_3] : memref<32x4096xf32, #tpu.memory_space<vmem>>, vector<32x4096xf32>
    %mul3A = arith.mulf %get3A_1, %get3A_4 : vector<32x4096xf32>
    %reduce_sum3A = arith.constant dense<0.000000e+00> : vector<4096xf32>
    %reduce_sum3A_5 = vector.multi_reduction <add>, %mul3A, %reduce_sum3A [0] : vector<32x4096xf32> to vector<4096xf32>
    %broadcast_in_dim3A = vector.shape_cast %reduce_sum3A_5 : vector<4096xf32> to vector<1x4096xf32>
    %get3A_6 = arith.constant 0 : index
    %get3A_7 = arith.constant 0 : index
    %get3A_8 = vector.load %arg3[%get3A_6, %get3A_7] : memref<512x1xf32, #tpu.memory_space<vmem>>, vector<512x1xf32>
    %add3A = vector.broadcast %get3A_8 : vector<512x1xf32> to vector<512x4096xf32>
    %add3A_9 = vector.broadcast %broadcast_in_dim3A : vector<1x4096xf32> to vector<512x4096xf32>
    %add3A_10 = arith.addf %add3A, %add3A_9 : vector<512x4096xf32>
    %swap3A = arith.constant 0 : index
    %swap3A_11 = arith.constant 0 : index
    %swap3A_12 = vector.load %arg4[%swap3A, %swap3A_11] : memref<512x4096xf32, #tpu.memory_space<vmem>>, vector<512x4096xf32>
    tpu.vector_store %arg4[%swap3A, %swap3A_11], %add3A_10 {strides = array<i32>} : memref<512x4096xf32, #tpu.memory_space<vmem>>, vector<512x4096xf32>,
    return
  }
  func.func @transform_0(%arg0: i32) -> (i32, i32) {
    %c0_i32 = arith.constant 0 : i32
    %c0_i32_0 = arith.constant 0 : i32
    %c0_i32_1 = arith.constant 0 : i32
    return %c0_i32, %c0_i32_0 : i32, i32
  }
  func.func @transform_1(%arg0: i32) -> (i32, i32) {
    %c0_i32 = arith.constant 0 : i32
    %c0_i32_0 = arith.constant 0 : i32
    %c0_i32_1 = arith.constant 0 : i32
    return %c0_i32, %c0_i32_0 : i32, i32
  }
  func.func @transform_2(%arg0: i32) -> (i32, i32) {
    %c0_i32 = arith.constant 0 : i32
    %c0_i32_0 = arith.constant 0 : i32
    return %arg0, %c0_i32 : i32, i32
  }
  func.func @transform_3(%arg0: i32) -> (i32, i32) {
    %c0_i32 = arith.constant 0 : i32
    %c0_i32_0 = arith.constant 0 : i32
    return %arg0, %c0_i32 : i32, i32
  }
}

</mosaic_0001>

<sc_bundles>
// kernel: gather_offload_async_start.1
scs
__scs_entry_jumppad:
0x0: {  	(pc) =	sbr.rel $0x88, $3  }
0x1: {  	(tag) =	ssettag $0x0;
	lr =	simm.s32 $0x1  }
0x2: {  	[smem:$0x3F9B] =	sst lr;
	_ =	strace $0xD0000000  }
0x3: {  	_ = 	snop  }
0x4: {  	_ = 	snop  }
0x5: {  	_ = 	snop  }
0x6: {  	_ = 	snop  }
0x7: {  	_ = 	snop  }
__scs_overlays_trampoline_lowered:
0x8: {  	[smem:$0x3FAA] =	sst s0  }
0x9: {  	[smem:$0x3FAB] =	sst s1  }
0xa: {  	[smem:$0x3FAC] =	sst s2  }
0xb: {  	[smem:$0x3FAD] =	sst s3  }
0xc: {  	[smem:$0x3FAE] =	sst s4  }
0xd: {  	[smem:$0x3FAF] =	sst s5  }
0xe: {  	[smem:$0x3FB0] =	sst s6  }
0xf: {  	[smem:$0x3FB1] =	sst s7  }
0x10: {  	[smem:$0x3FB2] =	sst s8  }
0x11: {  	[smem:$0x3FB3] =	sst s9;
	s0 =	simm.s32 @!p0 $0x0  }
0x12: {  	s1 =	sld [smem:$0x3F99];
	s0 =	simm.s32 @p0 $0x1  }
0x13: {  	[smem:$0x3FB4] =	sst s0;
	s0 =	simm.s32 @!p1 $0x0  }
0x14: {  	s2 =	sld [smem:$0x3F98];
	s0 =	simm.s32 @p1 $0x1  }
0x15: {  	[smem:$0x3FB5] =	sst s0;
	s0 =	simm.s32 @!p2 $0x0  }
0x16: {  	s3 =	sld [smem:$0x3FDB];
	s0 =	simm.s32 @p2 $0x1  }
0x17: {  	s4 =	simm.s32 $0x1BF5;
	[smem:$0x3FB7] =	sst s0  }
0x18: {  	s0 =	sld [smem:$0x3F9A];
	_ =	swait.ge [sflag:s4], $0x0  }
0x19: {  	s7 =	sld [smem:$0x3F9B]  }
0x1a: {  	s8 =	sadd.s32 $0xFFFFE003, lr  }
0x1b: {  	s9 =	sadd.s32 $0xFFFFFEF7, lr;
	s5 =	simm.s32 $0xFFFFFFFF;
	p2 =	slt.u32 s8, $0xFFFFF086  }
0x1c: {  	p1 =	slt.u32 s9, $0xF7A;
	s5 =	simm.s32 @!p2 $0x0  }
0x1d: {  	s5 =	simm.s32 @p1 $0x1;
	p0 =	seq.s32 s7, s2  }
0x1e: {  	s7 =	smul.u32 @!p0 $0xF7A, s2;
	p2 =	seq.s32 @!p0 s5, $0x0  }
0x1f: {  	s9 =	smul.u32 $0xF7A, s1;
	s8 =	simm.s32 @!p0 $0x1BF5;
	p2 =	por !p2, p0  }
0x20: {  	[sflag:s8] =	ssyncset.s32 @!p0 $0xFFFFF086;
	s6 =	sadd.s32 @!p0 s3, s7;
	s7 =	simm.s32 @!p0 $0x108  }
0x21: {  	s3 =	sadd.s32 s3, s9;
	s6 =	sadd.s32 @!p0 $0x88, s6;
	s7 =	simm.s32 @p2 $0x1082  }
0x22: {  	[simem:s7], [sflag:s8] =	dma.local @!p0 [hbm:s6], $0xF7A  }
0x23: {  	s9 =	sor.u32 $0xD0000000, s2;
	s6 =	simm.s32 $0x108;
	_ =	swait.ge @!p0 [sflag:s8], $0x0  }
0x24: {  	s3 =	sadd.s32 $0x88, s3;
	s6 =	simm.s32 @!p1 $0x1082;
	[sflag:s4] =	ssyncset.s32 $0xFFFFF086  }
0x25: {  	[simem:s6], [sflag:s4] =	dma.local [hbm:s3], $0xF7A  }
0x26: {  	[smem:$0x3F9B] =	sst s1;
	(tag) =	ssettag s2;
	_ =	strace s9  }
0x27: {  	s1 =	sld [smem:$0x3FAB]  }
0x28: {  	s2 =	sld [smem:$0x3FAC]  }
0x29: {  	s4 =	sld [smem:$0x3FAE]  }
0x2a: {  	p0 =	seq.s32 s5, $0x0;
	s5 =	sld [smem:$0x3FAF]  }
0x2b: {  	s6 =	sld [smem:$0x3FB0]  }
0x2c: {  	s7 =	sld [smem:$0x3FB1]  }
0x2d: {  	s3 =	simm.s32 $0x108;
	s8 =	sld [smem:$0x3FB2]  }
0x2e: {  	s3 =	simm.s32 @!p0 $0x1082;
	s9 =	sld [smem:$0x3FB3]  }
0x2f: {  	lr =	sadd.s32 s0, s3;
	s0 =	sld [smem:$0x3FAA]  }
0x30: {  	s3 =	sld [smem:$0x3FAD]  }
0x31: {  	[smem:$0x3FB6] =	sst s10  }
0x32: {  	s10 =	sld [smem:$0x3FB4];
	_ =	sdelay $0x3  }
0x33: {  	p0 =	seq.s32 s10, $0x1;
	s10 =	sld [smem:$0x3FB6];
	_ =	sdelay $0x3  }
0x34: {  	[smem:$0x3FB6] =	sst s10  }
0x35: {  	s10 =	sld [smem:$0x3FB5];
	_ =	sdelay $0x3  }
0x36: {  	p1 =	seq.s32 s10, $0x1;
	s10 =	sld [smem:$0x3FB6];
	_ =	sdelay $0x3  }
0x37: {  	[smem:$0x3FB6] =	sst s10  }
0x38: {  	s10 =	sld [smem:$0x3FB7]  }
0x39: {  	_ = 	snop;
	(pc) =	sbr.ind lr, $3  }
0x3a: {  	_ = 	snop  }
0x3b: {  	_ = 	snop  }
0x3c: {  	p2 =	seq.s32 s10, $0x1;
	s10 =	sld [smem:$0x3FB6]  }
0x3d: {  	_ =	shalt  }
0x3e: {  	_ =	shalt  }
0x3f: {  	_ =	shalt  }
0x40: {  	_ =	shalt  }
0x41: {  	_ =	shalt  }
0x42: {  	_ =	shalt  }
0x43: {  	_ =	shalt  }
0x44: {  	_ =	shalt  }
0x45: {  	_ =	shalt  }
0x46: {  	_ =	shalt  }
0x47: {  	_ =	shalt  }
0x48: {  	_ =	shalt  }
0x49: {  	_ =	shalt  }
0x4a: {  	_ =	shalt  }
0x4b: {  	_ =	shalt  }
0x4c: {  	_ =	shalt  }
0x4d: {  	_ =	shalt  }
0x4e: {  	_ =	shalt  }
0x4f: {  	_ =	shalt  }
0x50: {  	_ =	shalt  }
0x51: {  	_ =	shalt  }
0x52: {  	_ =	shalt  }
0x53: {  	_ =	shalt  }
0x54: {  	_ =	shalt  }
0x55: {  	_ =	shalt  }
0x56: {  	_ =	shalt  }
0x57: {  	_ =	shalt  }
0x58: {  	_ =	shalt  }
0x59: {  	_ =	shalt  }
0x5a: {  	_ =	shalt  }
0x5b: {  	_ =	shalt  }
0x5c: {  	_ =	shalt  }
0x5d: {  	_ =	shalt  }
0x5e: {  	_ =	shalt  }
0x5f: {  	_ =	shalt  }
0x60: {  	_ =	shalt  }
0x61: {  	_ =	shalt  }
0x62: {  	_ =	shalt  }
0x63: {  	_ =	shalt  }
0x64: {  	_ =	shalt  }
0x65: {  	_ =	shalt  }
0x66: {  	_ =	shalt  }
0x67: {  	_ =	shalt  }
0x68: {  	_ =	shalt  }
0x69: {  	_ =	shalt  }
0x6a: {  	_ =	shalt  }
0x6b: {  	_ =	shalt  }
0x6c: {  	_ =	shalt  }
0x6d: {  	_ =	shalt  }
0x6e: {  	_ =	shalt  }
0x6f: {  	_ =	shalt  }
0x70: {  	_ =	shalt  }
0x71: {  	_ =	shalt  }
0x72: {  	_ =	shalt  }
0x73: {  	_ =	shalt  }
0x74: {  	_ =	shalt  }
0x75: {  	_ =	shalt  }
0x76: {  	_ =	shalt  }
0x77: {  	_ =	shalt  }
0x78: {  	_ =	shalt  }
0x79: {  	_ =	shalt  }
0x7a: {  	_ =	shalt  }
0x7b: {  	_ =	shalt  }
0x7c: {  	_ =	shalt  }
0x7d: {  	_ =	shalt  }
0x7e: {  	_ =	shalt  }
0x7f: {  	_ =	shalt  }
0x80: {  	_ =	shalt  }
0x81: {  	_ =	shalt  }
0x82: {  	_ =	shalt  }
0x83: {  	_ =	shalt  }
0x84: {  	_ =	shalt  }
0x85: {  	_ =	shalt  }
0x86: {  	_ =	shalt  }
0x87: {  	_ =	shalt  }
.Lfunc_end0:
.L_simem_size_0:
called_computation.1_lowered:
.L_overlay_start_0:
0x88: {  	s2 =	sld [smem:$0x3FD9]  }
0x89: {  	s3 =	sld [smem:$0x3FFE];
	_ =	sdelay $0x1  }
0x8a: {  	s1 =	srdreg.scid  }
0x8b: {  	s0 =	sand.u32 $0x1, s1  }
0x8c: {  	s17 =	sshll.u32 s0, $0xA;
	s2 =	sadd.s32 s3, s2  }
0x8d: {  	s2 =	sadd.s32 s2, s17  }
0x8e: {  	[smem:$0x3FC2] =	sst s2  }
0x8f: {  	_ = 	snop  }
0x90: {  	s18 =	sld [smem:$0x3FC6];
	(tm) =	ssettm $0x1  }
0x91: {  	s19 =	sld [smem:$0x3FFB];
	_ =	sdelay $0x3  }
0x92: {  	_ =	strace s19  }
0x93: {  	s2 =	sld [smem:$0x3FFC];
	_ =	sdelay $0x3  }
0x94: {  	_ =	strace s2  }
0x95: {  	s2 =	sld [smem:$0x3FFD];
	_ =	sdelay $0x3  }
0x96: {  	_ =	strace s2  }
0x97: {  	_ =	strace $0x8FFFFFFF  }
0x98: {  	s20 =	sld [smem:$0x3FDB];
	_ =	sdelay $0x1  }
0x99: {  	s4 =	simm.s32 $_scs_section_size  }
0x9a: {  	s5 =	simm.s32 $_size__tile_overlayer_lowered;
	s6 =	simm.s32 $_tile_overlayer_lowered  }
0x9b: {  	s7 =	simm.s32 $0x1BFF;
	s21 =	sshll.u32 s6, $0x1;
	s4 =	sadd.s32 s4, s20  }
0x9c: {  	s22 =	simm.s32 $0x0;
	s5 =	sshll.u32 s5, $0x1;
	s6 =	sadd.s32 s21, s4  }
0x9d: {  	[timem:s22], [sflag:s7] =	dma.local [hbm:s6], s5  }
0x9e: {  	_ =	swait.ge [sflag:s7], s5  }
0x9f: {  	s5 =	ssub.s32 $0x0, s5;
	[sflag:s7] =	ssyncset.done $0x0  }
0xa0: {  	[sflag:s7] =	ssyncadd.s32 s5;
	_ =	sdelay $0x1  }
0xa1: {  	s23 =	simm.s32 $0x1B8B  }
0xa2: {  	_ =	swait.ge [sflag:s23], $0x1  }
0xa3: {  	[sflag:s23] =	ssyncset.done $0x0  }
0xa4: {  	[sflag:s23] =	ssyncadd.s32 $0xFFFFFFFF  }
0xa5: {  	s5 =	sld [smem:$0x0]  }
0xa6: {  	s6 =	sand.u32 $0xFFFFFFFE, s1  }
0xa7: {  	p0 =	sne.s32 s1, s6  }
0xa8: {  	s6 =	sshll.u32 @p0 s6, $0xE  }
0xa9: {  	s6 =	sadd.s32 @p0 $0x11B8D, s6;
	s7 =	sshll.u32 @p0 s5, $0x11  }
0xaa: {  	s6 =	sor.u32 @p0 s7, s6  }
0xab: {  	[sflag:s6] =	ssyncadd.remote.s32 @p0 $0x1;
	_ =	sdelay $0x1  }
0xac: {  	s6 =	simm.s32 @p0 $0x1B8D  }
0xad: {  	_ =	swait.eq @p0 [sflag:s6], $0x1  }
0xae: {  	[sflag:s6] =	ssyncadd.s32 @p0 $0xFFFFFFFF  }
0xaf: {  	s7 =	sshll.u32 @!p0 s1, $0xE  }
0xb0: {  	s7 =	sor.u32 @!p0 $0x4000, s7;
	s6 =	simm.s32 @!p0 $0x1B8D  }
0xb1: {  	s5 =	sshll.u32 @!p0 s5, $0x11;
	s7 =	sadd.s32 @!p0 $0x11B8D, s7;
	_ =	swait.eq @!p0 [sflag:s6], $0x1  }
0xb2: {  	s5 =	sor.u32 @!p0 s5, s7;
	[sflag:s6] =	ssyncadd.s32 @!p0 $0xFFFFFFFF  }
0xb3: {  	s25 =	simm.s32 $0x1B8E;
	s24 =	sld [smem:$0x3FFE];
	[sflag:s5] =	ssyncadd.remote.s32 @!p0 $0x1  }
0xb4: {  	s26 =	simm.s32 $execute0_lowered;
	[smem:$0x3FD2] =	sst s25  }
0xb5: {  	s6 =	sshll.u32 s26, $0x1;
	_ =	strace $0x8000004F;
	[dreg:$0x1] =	wrdreg $0xFFFFFFFF  }
0xb6: {  	s28 =	simm.s32 $_size_execute0_lowered;
	s4 =	sadd.s32 s4, s6;
	[dreg:$0x0] =	wrdreg $0x0  }
0xb7: {  	s6 =	sshll.u32 s28, $0x1;
	[dreg:$0x2] =	wrdreg s4  }
0xb8: {  	[dreg:$0x3] =	wrdreg s6  }
0xb9: {  	[dreg:$0x4] =	wrdreg $0xC0  }
0xba: {  	_ =	task [dreg:s22], $0x5FFFF  }
0xbb: {  	[dreg:$0x1] =	wrdreg $0xFFFFFFFF  }
0xbc: {  	[dreg:$0x0] =	wrdreg $0x60  }
0xbd: {  	[dreg:$0x2] =	wrdreg s18  }
0xbe: {  	[dreg:$0x3] =	wrdreg s24  }
0xbf: {  	[dreg:$0x4] =	wrdreg $0xA  }
0xc0: {  	_ =	task.clear_ibuf [dreg:s22], $0x5FFFF;
	_ =	strace $0x9000004F  }
0xc1: {  	s29 =	simm.s32 $0xA;
	_ =	strace $0x80000051  }
0xc2: {  	_ =	swait.ge [sflag:s29], $0x1  }
0xc3: {  	[sflag:s29] =	ssyncadd.s32 $0xFFFFFFFF  }
0xc4: {  	_ =	strace $0x90000051  }
0xc5: {  	_ =	sfence  }
0xc6: {  	s30 =	sld [smem:$0x0];
	_ =	sdelay $0x2  }
0xc7: {  	s31 =	sshll.u32 s1, $0xD;
	s1 =	sshrl.u32 s1, $0x2  }
0xc8: {  	s4 =	sand.u32 $0x4000, s31;
	s1 =	sadd.s32 s1, s30  }
0xc9: {  	s0 =	sor.u32 s4, s0;
	s1 =	sshll.u32 s1, $0x11  }
0xca: {  	s0 =	sor.u32 s1, s0  }
0xcb: {  	s0 =	sadd.s32 $0x8F2B, s0  }
0xcc: {  	[sflag:s0] =	ssyncadd.remote.s32 $0x1  }
0xcd: {  	_ =	sfence.sel $0xFFFF  }
0xce: {  	[dreg:$0x0] =	wrdreg $0xFFFFFFFF;
	(pc) =	sbr.abs _section_cstart, $3  }
0xcf: {  	[dreg:$0x1] =	wrdreg $0xFFFFFFFF  }
0xd0: {  	_ =	task.clear_ibuf [dreg:s22], $0x2FFFF;
	_ =	strace $0x9FFFFFFF  }
0xd1: {  	(tm) =	ssettm $0x7FFFFFFF  }
tec
execute0_lowered:
.L_overlay_start_1:
0x0: {  	(tag) =	ssettag $0x1  }
0x1: {  	s1 =	srdreg.scid  }
0x2: {  	s2 =	rddreg [dreg:$0x0];
	s0 =	stileid.u32  }
0x3: {  	s11 =	rddreg [dreg:$0x1];
	s5 =	simm.s32 $0x2;
	s1 =	sshll.u32 s1, $0x7  }
0x4: {  	s9 =	simm.s32 $0x3;
	s3 =	sshll.u32 s0, $0x8;
	s4 =	sand.u32 $0x80, s1  }
0x5: {  	s13 =	simm.s32 $0x0;
	s15 =	simm.s32 $0x0;
	s3 =	sor.u32 s3, s4  }
0x6: {  	s14 =	simm.s32 $0x0;
	s1 =	rddreg [dreg:$0x2];
	s4 =	sshrl.u32 s3, $0x3  }
0x7: {  	_ =	strace $0x80000050;
	s6 =	ssub.s32 $0x1000, s3;
	s8 =	sadd.s32 s4, s11  }
0x8: {  	s4 =	simm.s32 $0x1;
	s7 =	sand.u32 $0xF80, s6;
	s10 =	sshrl.u32 s6, $0xC  }
.Ltmp0:
0x9: {  	s6 =	sadd.s32 $0x2600, s11;
	[sflag:s4] =	ssyncpa.u1 $0x0;
	(pc) =	sbr.rel .LBB2_1-.Ltmp0, $4  }
0xa: {  	p0 =	sne.s32 s7, $0x0;
	s7 =	simm.s32 $0x1;
	s8 =	sadd.s32 $0x2000, s8  }
0xb: {  	[sflag:s5] =	ssyncpa.u1 $0x0;
	s7 =	simm.s32 @!p0 $0x0;
	p0 =	por $0x0, $0x0  }
0xc: {  	[sflag:s9] =	ssyncpa.u1 $0x0;
	s7 =	sadd.s32 s7, s10;
	s9 =	sadd.s32 $0x3600, s11  }
0xd: {  	vm0 =	vmmov $0xffff;
	s10 =	sadd.s32 $0x4600, s11;
	s11 =	sadd.s32 $0x5600, s11;
	s12 =	sadd.s32 $0x1, s7  }
.LBB2_4:
0xe: {  	_ =	sdelay $0x3  }
0xf: {  	[tilespmem:s19], [sflag:$0x1] =	stream.indirect_vreg.gather [hbm4b:s2+s13], $0x1, v0, vm0, $0x4038;
	[tilespmem:$0x2100] =	vst v63  }
0x10: {  	v0 =	vld.msk [tilespmem:s22+$0x0 ss:$0x1], $0xffff;
	_ =	sdelay $0x4  }
0x11: {  	vm1 =	vgt.s32 v0, $0x0  }
0x12: {  	v0 =	vnsel vm1, $0x0, v0  }
0x13: {  	v0 =	vmin.u32 v0, $0xF423F  }
0x14: {  	v1 =	vshll.u32 v0, $0x3  }
0x15: {  	v0 =	vand.u32 $0x7F, v0;
	v1 =	vand.u32 $0x7FFC00, v1  }
0x16: {  	v0 =	vor.u32 v0, v1;
	_ =	sdelay $0x2  }
0x17: {  	(ifvalue) =	ssetifvalue $0x7FFFFFFF;
	s18 =	rddreg [dreg:$0x4];
	v1 =	vor.u32 $0x80, v0  }
0x18: {  	s18 =	sadd.s32 s21, s18;
	(ifvalue) =	ssetifvalue $0x7FFFFFFF  }
0x19: {  	[tilespmem:s18], [sflag:$0x1] =	stream.indirect_vreg.gather [hbm4b:s2+s13], $0x1, v0, vm0, $0x4038;
	[tilespmem:$0x2100] =	vst v63  }
0x1a: {  	v2 =	vor.u32 $0x100, v0;
	(ifvalue) =	ssetifvalue $0x7FFFFFFF  }
0x1b: {  	s26 =	sadd.s32 $0x80, s18;
	(ifvalue) =	ssetifvalue $0x7FFFFFFF  }
0x1c: {  	[tilespmem:s26], [sflag:$0x1] =	stream.indirect_vreg.gather [hbm4b:s2+s13], $0x1, v1, vm0, $0x4038;
	[tilespmem:$0x2100] =	vst v63  }
0x1d: {  	v36 =	vor.u32 $0x180, v0;
	(ifvalue) =	ssetifvalue $0x7FFFFFFF  }
0x1e: {  	s28 =	sadd.s32 $0x100, s18;
	(ifvalue) =	ssetifvalue $0x7FFFFFFF  }
0x1f: {  	[tilespmem:s28], [sflag:$0x1] =	stream.indirect_vreg.gather [hbm4b:s2+s13], $0x1, v2, vm0, $0x4038;
	[tilespmem:$0x2100] =	vst v63  }
0x20: {  	v37 =	vor.u32 $0x200, v0;
	(ifvalue) =	ssetifvalue $0x7FFFFFFF  }
0x21: {  	s29 =	sadd.s32 $0x180, s18;
	(ifvalue) =	ssetifvalue $0x7FFFFFFF  }
0x22: {  	[tilespmem:s29], [sflag:$0x1] =	stream.indirect_vreg.gather [hbm4b:s2+s13], $0x1, v36, vm0, $0x4038;
	[tilespmem:$0x2100] =	vst v63  }
0x23: {  	v38 =	vor.u32 $0x280, v0;
	(ifvalue) =	ssetifvalue $0x7FFFFFFF  }
0x24: {  	s30 =	sadd.s32 $0x200, s18;
	(ifvalue) =	ssetifvalue $0x7FFFFFFF  }
0x25: {  	[tilespmem:s30], [sflag:$0x1] =	stream.indirect_vreg.gather [hbm4b:s2+s13], $0x1, v37, vm0, $0x4038;
	[tilespmem:$0x2100] =	vst v63  }
0x26: {  	v39 =	vor.u32 $0x300, v0;
	(ifvalue) =	ssetifvalue $0x7FFFFFFF  }
0x27: {  	s31 =	sadd.s32 $0x280, s18;
	(ifvalue) =	ssetifvalue $0x7FFFFFFF  }
0x28: {  	[tilespmem:s31], [sflag:$0x1] =	stream.indirect_vreg.gather [hbm4b:s2+s13], $0x1, v38, vm0, $0x4038;
	[tilespmem:$0x2100] =	vst v63  }
0x29: {  	v40 =	vor.u32 $0x380, v0;
	(ifvalue) =	ssetifvalue $0x7FFFFFFF  }
0x2a: {  	s20 =	sadd.s32 $0x300, s18;
	(ifvalue) =	ssetifvalue $0x7FFFFFFF  }
0x2b: {  	[tilespmem:s20], [sflag:$0x1] =	stream.indirect_vreg.gather [hbm4b:s2+s13], $0x1, v39, vm0, $0x4038;
	[tilespmem:$0x2100] =	vst v63  }
0x2c: {  	v41 =	vadd.s32 $0x7A1400, v0;
	(ifvalue) =	ssetifvalue $0x7FFFFFFF  }
0x2d: {  	s21 =	sadd.s32 $0x380, s18;
	(ifvalue) =	ssetifvalue $0x7FFFFFFF  }
0x2e: {  	[tilespmem:s21], [sflag:$0x1] =	stream.indirect_vreg.gather [hbm4b:s2+s13], $0x1, v40, vm0, $0x4038;
	[tilespmem:$0x2100] =	vst v63  }
0x2f: {  	v42 =	vadd.s32 $0x7A1480, v0;
	(ifvalue) =	ssetifvalue $0x7FFFFFFF  }
0x30: {  	s22 =	sadd.s32 $0x400, s18;
	(ifvalue) =	ssetifvalue $0x7FFFFFFF  }
0x31: {  	[tilespmem:s22], [sflag:$0x1] =	stream.indirect_vreg.gather [hbm4b:s2+s13], $0x1, v41, vm0, $0x4038;
	[tilespmem:$0x2100] =	vst v63  }
0x32: {  	v43 =	vadd.s32 $0x7A1500, v0;
	(ifvalue) =	ssetifvalue $0x7FFFFFFF  }
0x33: {  	s23 =	sadd.s32 $0x480, s18;
	(ifvalue) =	ssetifvalue $0x7FFFFFFF  }
0x34: {  	[tilespmem:s23], [sflag:$0x1] =	stream.indirect_vreg.gather [hbm4b:s2+s13], $0x1, v42, vm0, $0x4038;
	[tilespmem:$0x2100] =	vst v63  }
0x35: {  	v44 =	vadd.s32 $0x7A1580, v0;
	(ifvalue) =	ssetifvalue $0x7FFFFFFF  }
0x36: {  	s24 =	sadd.s32 $0x500, s18;
	(ifvalue) =	ssetifvalue $0x7FFFFFFF  }
0x37: {  	[tilespmem:s24], [sflag:$0x1] =	stream.indirect_vreg.gather [hbm4b:s2+s13], $0x1, v43, vm0, $0x4038;
	[tilespmem:$0x2100] =	vst v63  }
0x38: {  	v45 =	vadd.s32 $0x7A1600, v0;
	(ifvalue) =	ssetifvalue $0x7FFFFFFF  }
0x39: {  	s25 =	sadd.s32 $0x580, s18;
	(ifvalue) =	ssetifvalue $0x7FFFFFFF  }
0x3a: {  	[tilespmem:s25], [sflag:$0x1] =	stream.indirect_vreg.gather [hbm4b:s2+s13], $0x1, v44, vm0, $0x4038;
	[tilespmem:$0x2100] =	vst v63  }
0x3b: {  	v46 =	vadd.s32 $0x7A1680, v0;
	(ifvalue) =	ssetifvalue $0x7FFFFFFF  }
0x3c: {  	s26 =	sadd.s32 $0x600, s18;
	(ifvalue) =	ssetifvalue $0x7FFFFFFF  }
0x3d: {  	[tilespmem:s26], [sflag:$0x1] =	stream.indirect_vreg.gather [hbm4b:s2+s13], $0x1, v45, vm0, $0x4038;
	[tilespmem:$0x2100] =	vst v63  }
0x3e: {  	v47 =	vadd.s32 $0x7A1700, v0;
	(ifvalue) =	ssetifvalue $0x7FFFFFFF  }
0x3f: {  	s28 =	sadd.s32 $0x680, s18;
	(ifvalue) =	ssetifvalue $0x7FFFFFFF  }
0x40: {  	[tilespmem:s28], [sflag:$0x1] =	stream.indirect_vreg.gather [hbm4b:s2+s13], $0x1, v46, vm0, $0x4038;
	[tilespmem:$0x2100] =	vst v63  }
0x41: {  	v48 =	vadd.s32 $0x7A1780, v0;
	(ifvalue) =	ssetifvalue $0x7FFFFFFF  }
0x42: {  	s29 =	sadd.s32 $0x700, s18;
	(ifvalue) =	ssetifvalue $0x7FFFFFFF  }
0x43: {  	[tilespmem:s29], [sflag:$0x1] =	stream.indirect_vreg.gather [hbm4b:s2+s13], $0x1, v47, vm0, $0x4038;
	[tilespmem:$0x2100] =	vst v63  }
0x44: {  	v49 =	vadd.s32 $0xF42800, v0;
	(ifvalue) =	ssetifvalue $0x7FFFFFFF  }
0x45: {  	s30 =	sadd.s32 $0x780, s18;
	(ifvalue) =	ssetifvalue $0x7FFFFFFF  }
0x46: {  	[tilespmem:s30], [sflag:$0x1] =	stream.indirect_vreg.gather [hbm4b:s2+s13], $0x1, v48, vm0, $0x4038;
	[tilespmem:$0x2100] =	vst v63  }
0x47: {  	v50 =	vadd.s32 $0xF42880, v0;
	(ifvalue) =	ssetifvalue $0x7FFFFFFF  }
0x48: {  	s31 =	sadd.s32 $0x800, s18;
	(ifvalue) =	ssetifvalue $0x7FFFFFFF  }
0x49: {  	[tilespmem:s31], [sflag:$0x1] =	stream.indirect_vreg.gather [hbm4b:s2+s13], $0x1, v49, vm0, $0x4038;
	[tilespmem:$0x2100] =	vst v63  }
0x4a: {  	v51 =	vadd.s32 $0xF42900, v0;
	(ifvalue) =	ssetifvalue $0x7FFFFFFF  }
0x4b: {  	s20 =	sadd.s32 $0x880, s18;
	(ifvalue) =	ssetifvalue $0x7FFFFFFF  }
0x4c: {  	[tilespmem:s20], [sflag:$0x1] =	stream.indirect_vreg.gather [hbm4b:s2+s13], $0x1, v50, vm0, $0x4038;
	[tilespmem:$0x2100] =	vst v63  }
0x4d: {  	v52 =	vadd.s32 $0xF42980, v0;
	(ifvalue) =	ssetifvalue $0x7FFFFFFF  }
0x4e: {  	s21 =	sadd.s32 $0x900, s18;
	(ifvalue) =	ssetifvalue $0x7FFFFFFF  }
0x4f: {  	[tilespmem:s21], [sflag:$0x1] =	stream.indirect_vreg.gather [hbm4b:s2+s13], $0x1, v51, vm0, $0x4038;
	[tilespmem:$0x2100] =	vst v63  }
0x50: {  	v53 =	vadd.s32 $0xF42A00, v0;
	(ifvalue) =	ssetifvalue $0x7FFFFFFF  }
0x51: {  	s22 =	sadd.s32 $0x980, s18;
	(ifvalue) =	ssetifvalue $0x7FFFFFFF  }
0x52: {  	[tilespmem:s22], [sflag:$0x1] =	stream.indirect_vreg.gather [hbm4b:s2+s13], $0x1, v52, vm0, $0x4038;
	[tilespmem:$0x2100] =	vst v63  }
0x53: {  	v54 =	vadd.s32 $0xF42A80, v0;
	(ifvalue) =	ssetifvalue $0x7FFFFFFF  }
0x54: {  	s23 =	sadd.s32 $0xA00, s18;
	(ifvalue) =	ssetifvalue $0x7FFFFFFF  }
0x55: {  	[tilespmem:s23], [sflag:$0x1] =	stream.indirect_vreg.gather [hbm4b:s2+s13], $0x1, v53, vm0, $0x4038;
	[tilespmem:$0x2100] =	vst v63  }
0x56: {  	v55 =	vadd.s32 $0xF42B00, v0;
	(ifvalue) =	ssetifvalue $0x7FFFFFFF  }
0x57: {  	s24 =	sadd.s32 $0xA80, s18;
	(ifvalue) =	ssetifvalue $0x7FFFFFFF  }
0x58: {  	[tilespmem:s24], [sflag:$0x1] =	stream.indirect_vreg.gather [hbm4b:s2+s13], $0x1, v54, vm0, $0x4038;
	[tilespmem:$0x2100] =	vst v63  }
0x59: {  	v56 =	vadd.s32 $0xF42B80, v0;
	(ifvalue) =	ssetifvalue $0x7FFFFFFF  }
0x5a: {  	s25 =	sadd.s32 $0xB00, s18;
	(ifvalue) =	ssetifvalue $0x7FFFFFFF  }
0x5b: {  	[tilespmem:s25], [sflag:$0x1] =	stream.indirect_vreg.gather [hbm4b:s2+s13], $0x1, v55, vm0, $0x4038;
	[tilespmem:$0x2100] =	vst v63  }
0x5c: {  	v57 =	vadd.s32 $0x16E3C00, v0;
	(ifvalue) =	ssetifvalue $0x7FFFFFFF  }
0x5d: {  	s26 =	sadd.s32 $0xB80, s18;
	(ifvalue) =	ssetifvalue $0x7FFFFFFF  }
0x5e: {  	[tilespmem:s26], [sflag:$0x1] =	stream.indirect_vreg.gather [hbm4b:s2+s13], $0x1, v56, vm0, $0x4038;
	[tilespmem:$0x2100] =	vst v63  }
0x5f: {  	v58 =	vadd.s32 $0x16E3C80, v0;
	(ifvalue) =	ssetifvalue $0x7FFFFFFF  }
0x60: {  	s28 =	sadd.s32 $0xC00, s18;
	(ifvalue) =	ssetifvalue $0x7FFFFFFF  }
0x61: {  	[tilespmem:s28], [sflag:$0x1] =	stream.indirect_vreg.gather [hbm4b:s2+s13], $0x1, v57, vm0, $0x4038;
	[tilespmem:$0x2100] =	vst v63  }
0x62: {  	v59 =	vadd.s32 $0x16E3D00, v0;
	(ifvalue) =	ssetifvalue $0x7FFFFFFF  }
0x63: {  	s29 =	sadd.s32 $0xC80, s18;
	(ifvalue) =	ssetifvalue $0x7FFFFFFF  }
0x64: {  	[tilespmem:s29], [sflag:$0x1] =	stream.indirect_vreg.gather [hbm4b:s2+s13], $0x1, v58, vm0, $0x4038;
	[tilespmem:$0x2100] =	vst v63  }
0x65: {  	v60 =	vadd.s32 $0x16E3D80, v0;
	(ifvalue) =	ssetifvalue $0x7FFFFFFF  }
0x66: {  	s30 =	sadd.s32 $0xD00, s18;
	(ifvalue) =	ssetifvalue $0x7FFFFFFF  }
0x67: {  	[tilespmem:s30], [sflag:$0x1] =	stream.indirect_vreg.gather [hbm4b:s2+s13], $0x1, v59, vm0, $0x4038;
	[tilespmem:$0x2100] =	vst v63  }
0x68: {  	v61 =	vadd.s32 $0x16E3E00, v0;
	(ifvalue) =	ssetifvalue $0x7FFFFFFF  }
0x69: {  	s31 =	sadd.s32 $0xD80, s18;
	(ifvalue) =	ssetifvalue $0x7FFFFFFF  }
0x6a: {  	[tilespmem:s31], [sflag:$0x1] =	stream.indirect_vreg.gather [hbm4b:s2+s13], $0x1, v60, vm0, $0x4038;
	[tilespmem:$0x2100] =	vst v63  }
0x6b: {  	v62 =	vadd.s32 $0x16E3E80, v0;
	(ifvalue) =	ssetifvalue $0x7FFFFFFF  }
0x6c: {  	s20 =	sadd.s32 $0xE00, s18;
	(ifvalue) =	ssetifvalue $0x7FFFFFFF  }
0x6d: {  	[tilespmem:s20], [sflag:$0x1] =	stream.indirect_vreg.gather [hbm4b:s2+s13], $0x1, v61, vm0, $0x4038;
	[tilespmem:$0x2100] =	vst v63  }
0x6e: {  	v63 =	vadd.s32 $0x16E3F00, v0;
	(ifvalue) =	ssetifvalue $0x7FFFFFFF  }
0x6f: {  	s21 =	sadd.s32 $0xE80, s18;
	(ifvalue) =	ssetifvalue $0x7FFFFFFF  }
0x70: {  	[tilespmem:s21], [sflag:$0x1] =	stream.indirect_vreg.gather [hbm4b:s2+s13], $0x1, v62, vm0, $0x4038;
	[tilespmem:$0x2100] =	vst v63  }
0x71: {  	v0 =	vadd.s32 $0x16E3F80, v0;
	(ifvalue) =	ssetifvalue $0x7FFFFFFF  }
0x72: {  	s22 =	sadd.s32 $0xF00, s18;
	(ifvalue) =	ssetifvalue $0x7FFFFFFF  }
0x73: {  	[tilespmem:s22], [sflag:$0x1] =	stream.indirect_vreg.gather [hbm4b:s2+s13], $0x1, v63, vm0, $0x4038;
	[tilespmem:$0x2100] =	vst v63  }
0x74: {  	(ifvalue) =	ssetifvalue $0x7FFFFFFF  }
0x75: {  	s18 =	sadd.s32 $0xF80, s18;
	s23 =	sshll.u32 s15, $0x3;
	(ifvalue) =	ssetifvalue $0x7FFFFFFF  }
0x76: {  	[tilespmem:s18], [sflag:$0x1] =	stream.indirect_vreg.gather [hbm4b:s2+s13], $0x1, v0, vm0, $0x4038;
	[tilespmem:$0x2100] =	vst v63  }
0x77: {  	s24 =	sand.u32 $0x78, s15;
	s18 =	sand.u32 $0x7FFFFC00, s23  }
0x78: {  	_ =	swait.ge [sflag:s4], $0x1000;
	s15 =	sor.u32 s24, s18  }
0x79: {  	[sflag:s4] =	ssyncset.done $0x0;
	s15 =	sshrl.u32 s15, $0x3  }
0x7a: {  	[sflag:s4] =	ssyncadd.s32 $0xFFFFF000;
	s25 =	sadd.s32 s6, s15  }
0x7b: {  	[hbm:s25] =	stream.linear.scatter [tilespmem:s17], [sflag:$0x3], $0x400, $0x38;
	[tilespmem:$0x2100] =	vst v63  }
0x7c: {  	s26 =	sadd.s32 $0x500, s16;
	s28 =	sadd.s32 s15, s9  }
0x7d: {  	[hbm:s28] =	stream.linear.scatter [tilespmem:s26], [sflag:$0x3], $0x400, $0x38;
	[tilespmem:$0x2100] =	vst v63  }
0x7e: {  	s29 =	sadd.s32 $0x900, s16;
	s30 =	sadd.s32 s15, s10  }
0x7f: {  	[hbm:s30] =	stream.linear.scatter [tilespmem:s29], [sflag:$0x3], $0x400, $0x38;
	[tilespmem:$0x2100] =	vst v63  }
0x80: {  	s31 =	sadd.s32 $0xD00, s16;
	s15 =	sadd.s32 s15, s11  }
0x81: {  	[hbm:s15] =	stream.linear.scatter [tilespmem:s31], [sflag:$0x3], $0x400, $0x38;
	[tilespmem:$0x2100] =	vst v63  }
.LBB2_5:
0x82: {  	p2 =	sne.s32 s14, s12  }
.Ltmp1:
0x83: {  	p1 =	slt.u32 s14, $0x2;
	(pc) =	sbr.rel @!p2 .LBB2_6-.Ltmp1, $4  }
0x84: {  	s15 =	simm.s32 @!p1 $0x3  }
0x85: {  	_ =	swait.ge @!p1 [sflag:s15], $0x1000  }
0x86: {  	s16 =	sadd.s32 $0x1, s14;
	p0 =	por !p0, !p0;
	[sflag:s15] =	ssyncset.done @!p1 $0x0  }
0x87: {  	s14 =	smov.u32 s16;
	[sflag:s15] =	ssyncadd.s32 @!p1 $0xFFFFF000;
	s15 =	smov.u32 s3  }
.LBB2_1:
0x88: {  	p1 =	sge.u32 s14, s7  }
0x89: {  	s16 =	sxor.u32 @!p1 $0xFFFFFFFF, s14  }
0x8a: {  	s16 =	sshll.u32 @!p1 s16, $0x7  }
0x8b: {  	s31 =	sadd.s32 $0xFFFFFFFF, s14;
	s17 =	simm.s32 @!p1 $0x0;
	s16 =	sand.u32 @!p1 $0x80, s16  }
0x8c: {  	[tilespmem:s16], [sflag:$0x2] =	stream.linear.gather @!p1 [hbm4b:s8+s17], $0x80, $0x38;
	[tilespmem:$0x2100] =	vst v63  }
0x8d: {  	p1 =	sge.u32 s31, s7  }
.Ltmp2:
0x8e: {  	_ = 	snop;
	(pc) =	sbr.rel @p1 .LBB2_5-.Ltmp2, $1  }
0x8f: {  	_ =	sdelay $0x3  }
0x90: {  	s16 =	simm.s32 $0x1  }
0x91: {  	s16 =	simm.s32 @!p0 $0x0  }
0x92: {  	s17 =	sshll.u32 s16, $0xC;
	s16 =	sshll.u32 s16, $0x7  }
0x93: {  	s17 =	sor.u32 $0x100, s17;
	[dreg:$0x3] =	wrdreg s16  }
0x94: {  	[dreg:$0x4] =	wrdreg s17  }
0x95: {  	_ =	swait.ge [sflag:s5], $0x80  }
0x96: {  	s26 =	rddreg [dreg:$0x3];
	[sflag:s5] =	ssyncset.done $0x0  }
0x97: {  	[sflag:s5] =	ssyncadd.s32 $0xFFFFFF80;
	s16 =	sadd.s32 $0x0, s26  }
0x98: {  	v0 =	vld.msk [tilespmem:s16+$0x0 ss:$0x1], $0xffff;
	_ =	sdelay $0x4  }
0x99: {  	vm1 =	vgt.s32 v0, $0x0  }
0x9a: {  	v0 =	vnsel vm1, $0x0, v0  }
0x9b: {  	v0 =	vmin.u32 v0, $0xF423F  }
0x9c: {  	v1 =	vshll.u32 v0, $0x3  }
0x9d: {  	v0 =	vand.u32 $0x7F, v0;
	v1 =	vand.u32 $0x7FFC00, v1  }
0x9e: {  	v0 =	vor.u32 v0, v1;
	_ =	sdelay $0x2  }
0x9f: {  	(ifvalue) =	ssetifvalue $0x7FFFFFFF;
	s28 =	rddreg [dreg:$0x4];
	v1 =	vor.u32 $0x80, v0  }
0xa0: {  	s19 =	sadd.s32 $0x0, s28;
	(ifvalue) =	ssetifvalue $0x7FFFFFFF  }
0xa1: {  	[tilespmem:s19], [sflag:$0x1] =	stream.indirect_vreg.gather [hbm4b:s2+s13], $0x1, v0, vm0, $0x4038;
	[tilespmem:$0x2100] =	vst v63  }
0xa2: {  	v2 =	vor.u32 $0x100, v0;
	(ifvalue) =	ssetifvalue $0x7FFFFFFF  }
0xa3: {  	s16 =	sadd.s32 $0x80, s19;
	(ifvalue) =	ssetifvalue $0x7FFFFFFF  }
0xa4: {  	[tilespmem:s16], [sflag:$0x1] =	stream.indirect_vreg.gather [hbm4b:s2+s13], $0x1, v1, vm0, $0x4038;
	[tilespmem:$0x2100] =	vst v63  }
0xa5: {  	v1 =	vor.u32 $0x180, v0;
	(ifvalue) =	ssetifvalue $0x7FFFFFFF  }
0xa6: {  	s29 =	sadd.s32 $0x100, s19;
	(ifvalue) =	ssetifvalue $0x7FFFFFFF  }
0xa7: {  	[tilespmem:s29], [sflag:$0x1] =	stream.indirect_vreg.gather [hbm4b:s2+s13], $0x1, v2, vm0, $0x4038;
	[tilespmem:$0x2100] =	vst v63  }
0xa8: {  	v2 =	vor.u32 $0x200, v0;
	(ifvalue) =	ssetifvalue $0x7FFFFFFF  }
0xa9: {  	s30 =	sadd.s32 $0x180, s19;
	(ifvalue) =	ssetifvalue $0x7FFFFFFF  }
0xaa: {  	[tilespmem:s30], [sflag:$0x1] =	stream.indirect_vreg.gather [hbm4b:s2+s13], $0x1, v1, vm0, $0x4038;
	[tilespmem:$0x2100] =	vst v63  }
0xab: {  	(ifvalue) =	ssetifvalue $0x7FFFFFFF;
	v1 =	vor.u32 $0x280, v0  }
0xac: {  	s31 =	sadd.s32 $0x200, s19;
	(ifvalue) =	ssetifvalue $0x7FFFFFFF  }
0xad: {  	[tilespmem:s31], [sflag:$0x1] =	stream.indirect_vreg.gather [hbm4b:s2+s13], $0x1, v2, vm0, $0x4038;
	[tilespmem:$0x2100] =	vst v63  }
0xae: {  	(ifvalue) =	ssetifvalue $0x7FFFFFFF;
	v2 =	vor.u32 $0x300, v0  }
0xaf: {  	s17 =	sadd.s32 $0x280, s19;
	(ifvalue) =	ssetifvalue $0x7FFFFFFF  }
0xb0: {  	[tilespmem:s17], [sflag:$0x1] =	stream.indirect_vreg.gather [hbm4b:s2+s13], $0x1, v1, vm0, $0x4038;
	[tilespmem:$0x2100] =	vst v63  }
0xb1: {  	(ifvalue) =	ssetifvalue $0x7FFFFFFF;
	v1 =	vor.u32 $0x380, v0  }
0xb2: {  	s18 =	sadd.s32 $0x300, s19;
	(ifvalue) =	ssetifvalue $0x7FFFFFFF  }
0xb3: {  	[tilespmem:s18], [sflag:$0x1] =	stream.indirect_vreg.gather [hbm4b:s2+s13], $0x1, v2, vm0, $0x4038;
	[tilespmem:$0x2100] =	vst v63  }
0xb4: {  	(ifvalue) =	ssetifvalue $0x7FFFFFFF;
	v2 =	vadd.s32 $0x7A1400, v0  }
0xb5: {  	s20 =	sadd.s32 $0x380, s19;
	(ifvalue) =	ssetifvalue $0x7FFFFFFF  }
0xb6: {  	[tilespmem:s20], [sflag:$0x1] =	stream.indirect_vreg.gather [hbm4b:s2+s13], $0x1, v1, vm0, $0x4038;
	[tilespmem:$0x2100] =	vst v63  }
0xb7: {  	(ifvalue) =	ssetifvalue $0x7FFFFFFF;
	v1 =	vadd.s32 $0x7A1480, v0  }
0xb8: {  	s21 =	sadd.s32 $0x400, s19;
	(ifvalue) =	ssetifvalue $0x7FFFFFFF  }
0xb9: {  	[tilespmem:s21], [sflag:$0x1] =	stream.indirect_vreg.gather [hbm4b:s2+s13], $0x1, v2, vm0, $0x4038;
	[tilespmem:$0x2100] =	vst v63  }
0xba: {  	(ifvalue) =	ssetifvalue $0x7FFFFFFF;
	v2 =	vadd.s32 $0x7A1500, v0  }
0xbb: {  	s22 =	sadd.s32 $0x480, s19;
	(ifvalue) =	ssetifvalue $0x7FFFFFFF  }
0xbc: {  	[tilespmem:s22], [sflag:$0x1] =	stream.indirect_vreg.gather [hbm4b:s2+s13], $0x1, v1, vm0, $0x4038;
	[tilespmem:$0x2100] =	vst v63  }
0xbd: {  	(ifvalue) =	ssetifvalue $0x7FFFFFFF;
	v1 =	vadd.s32 $0x7A1580, v0  }
0xbe: {  	s23 =	sadd.s32 $0x500, s19;
	(ifvalue) =	ssetifvalue $0x7FFFFFFF  }
0xbf: {  	[tilespmem:s23], [sflag:$0x1] =	stream.indirect_vreg.gather [hbm4b:s2+s13], $0x1, v2, vm0, $0x4038;
	[tilespmem:$0x2100] =	vst v63  }
0xc0: {  	(ifvalue) =	ssetifvalue $0x7FFFFFFF;
	v2 =	vadd.s32 $0x7A1600, v0  }
0xc1: {  	s24 =	sadd.s32 $0x580, s19;
	(ifvalue) =	ssetifvalue $0x7FFFFFFF  }
0xc2: {  	[tilespmem:s24], [sflag:$0x1] =	stream.indirect_vreg.gather [hbm4b:s2+s13], $0x1, v1, vm0, $0x4038;
	[tilespmem:$0x2100] =	vst v63  }
0xc3: {  	(ifvalue) =	ssetifvalue $0x7FFFFFFF;
	v1 =	vadd.s32 $0x7A1680, v0  }
0xc4: {  	s25 =	sadd.s32 $0x600, s19;
	(ifvalue) =	ssetifvalue $0x7FFFFFFF  }
0xc5: {  	[tilespmem:s25], [sflag:$0x1] =	stream.indirect_vreg.gather [hbm4b:s2+s13], $0x1, v2, vm0, $0x4038;
	[tilespmem:$0x2100] =	vst v63  }
0xc6: {  	(ifvalue) =	ssetifvalue $0x7FFFFFFF;
	v2 =	vadd.s32 $0x7A1700, v0  }
0xc7: {  	s26 =	sadd.s32 $0x680, s19;
	(ifvalue) =	ssetifvalue $0x7FFFFFFF  }
0xc8: {  	[tilespmem:s26], [sflag:$0x1] =	stream.indirect_vreg.gather [hbm4b:s2+s13], $0x1, v1, vm0, $0x4038;
	[tilespmem:$0x2100] =	vst v63  }
0xc9: {  	(ifvalue) =	ssetifvalue $0x7FFFFFFF;
	v1 =	vadd.s32 $0x7A1780, v0  }
0xca: {  	s28 =	sadd.s32 $0x700, s19;
	(ifvalue) =	ssetifvalue $0x7FFFFFFF  }
0xcb: {  	[tilespmem:s28], [sflag:$0x1] =	stream.indirect_vreg.gather [hbm4b:s2+s13], $0x1, v2, vm0, $0x4038;
	[tilespmem:$0x2100] =	vst v63  }
0xcc: {  	(ifvalue) =	ssetifvalue $0x7FFFFFFF;
	v2 =	vadd.s32 $0xF42800, v0  }
0xcd: {  	s29 =	sadd.s32 $0x780, s19;
	(ifvalue) =	ssetifvalue $0x7FFFFFFF  }
0xce: {  	[tilespmem:s29], [sflag:$0x1] =	stream.indirect_vreg.gather [hbm4b:s2+s13], $0x1, v1, vm0, $0x4038;
	[tilespmem:$0x2100] =	vst v63  }
0xcf: {  	(ifvalue) =	ssetifvalue $0x7FFFFFFF;
	v1 =	vadd.s32 $0xF42880, v0  }
0xd0: {  	s30 =	sadd.s32 $0x800, s19;
	(ifvalue) =	ssetifvalue $0x7FFFFFFF  }
0xd1: {  	[tilespmem:s30], [sflag:$0x1] =	stream.indirect_vreg.gather [hbm4b:s2+s13], $0x1, v2, vm0, $0x4038;
	[tilespmem:$0x2100] =	vst v63  }
0xd2: {  	(ifvalue) =	ssetifvalue $0x7FFFFFFF;
	v2 =	vadd.s32 $0xF42900, v0  }
0xd3: {  	s31 =	sadd.s32 $0x880, s19;
	(ifvalue) =	ssetifvalue $0x7FFFFFFF  }
0xd4: {  	[tilespmem:s31], [sflag:$0x1] =	stream.indirect_vreg.gather [hbm4b:s2+s13], $0x1, v1, vm0, $0x4038;
	[tilespmem:$0x2100] =	vst v63  }
0xd5: {  	(ifvalue) =	ssetifvalue $0x7FFFFFFF;
	v1 =	vadd.s32 $0xF42980, v0  }
0xd6: {  	s17 =	sadd.s32 $0x900, s19;
	(ifvalue) =	ssetifvalue $0x7FFFFFFF  }
0xd7: {  	[tilespmem:s17], [sflag:$0x1] =	stream.indirect_vreg.gather [hbm4b:s2+s13], $0x1, v2, vm0, $0x4038;
	[tilespmem:$0x2100] =	vst v63  }
0xd8: {  	(ifvalue) =	ssetifvalue $0x7FFFFFFF;
	v2 =	vadd.s32 $0xF42A00, v0  }
0xd9: {  	s18 =	sadd.s32 $0x980, s19;
	(ifvalue) =	ssetifvalue $0x7FFFFFFF  }
0xda: {  	[tilespmem:s18], [sflag:$0x1] =	stream.indirect_vreg.gather [hbm4b:s2+s13], $0x1, v1, vm0, $0x4038;
	[tilespmem:$0x2100] =	vst v63  }
0xdb: {  	(ifvalue) =	ssetifvalue $0x7FFFFFFF;
	v1 =	vadd.s32 $0xF42A80, v0  }
0xdc: {  	s20 =	sadd.s32 $0xA00, s19;
	(ifvalue) =	ssetifvalue $0x7FFFFFFF  }
0xdd: {  	[tilespmem:s20], [sflag:$0x1] =	stream.indirect_vreg.gather [hbm4b:s2+s13], $0x1, v2, vm0, $0x4038;
	[tilespmem:$0x2100] =	vst v63  }
0xde: {  	(ifvalue) =	ssetifvalue $0x7FFFFFFF;
	v2 =	vadd.s32 $0xF42B00, v0  }
0xdf: {  	s21 =	sadd.s32 $0xA80, s19;
	(ifvalue) =	ssetifvalue $0x7FFFFFFF  }
0xe0: {  	[tilespmem:s21], [sflag:$0x1] =	stream.indirect_vreg.gather [hbm4b:s2+s13], $0x1, v1, vm0, $0x4038;
	[tilespmem:$0x2100] =	vst v63  }
0xe1: {  	(ifvalue) =	ssetifvalue $0x7FFFFFFF;
	v1 =	vadd.s32 $0xF42B80, v0  }
0xe2: {  	s22 =	sadd.s32 $0xB00, s19;
	(ifvalue) =	ssetifvalue $0x7FFFFFFF  }
0xe3: {  	[tilespmem:s22], [sflag:$0x1] =	stream.indirect_vreg.gather [hbm4b:s2+s13], $0x1, v2, vm0, $0x4038;
	[tilespmem:$0x2100] =	vst v63  }
0xe4: {  	(ifvalue) =	ssetifvalue $0x7FFFFFFF;
	v2 =	vadd.s32 $0x16E3C00, v0  }
0xe5: {  	s23 =	sadd.s32 $0xB80, s19;
	(ifvalue) =	ssetifvalue $0x7FFFFFFF  }
0xe6: {  	[tilespmem:s23], [sflag:$0x1] =	stream.indirect_vreg.gather [hbm4b:s2+s13], $0x1, v1, vm0, $0x4038;
	[tilespmem:$0x2100] =	vst v63  }
0xe7: {  	(ifvalue) =	ssetifvalue $0x7FFFFFFF;
	v1 =	vadd.s32 $0x16E3C80, v0  }
0xe8: {  	s24 =	sadd.s32 $0xC00, s19;
	(ifvalue) =	ssetifvalue $0x7FFFFFFF  }
0xe9: {  	[tilespmem:s24], [sflag:$0x1] =	stream.indirect_vreg.gather [hbm4b:s2+s13], $0x1, v2, vm0, $0x4038;
	[tilespmem:$0x2100] =	vst v63  }
0xea: {  	(ifvalue) =	ssetifvalue $0x7FFFFFFF;
	v2 =	vadd.s32 $0x16E3D00, v0  }
0xeb: {  	s25 =	sadd.s32 $0xC80, s19;
	(ifvalue) =	ssetifvalue $0x7FFFFFFF  }
0xec: {  	[tilespmem:s25], [sflag:$0x1] =	stream.indirect_vreg.gather [hbm4b:s2+s13], $0x1, v1, vm0, $0x4038;
	[tilespmem:$0x2100] =	vst v63  }
0xed: {  	(ifvalue) =	ssetifvalue $0x7FFFFFFF;
	v1 =	vadd.s32 $0x16E3D80, v0  }
0xee: {  	s26 =	sadd.s32 $0xD00, s19;
	(ifvalue) =	ssetifvalue $0x7FFFFFFF  }
0xef: {  	[tilespmem:s26], [sflag:$0x1] =	stream.indirect_vreg.gather [hbm4b:s2+s13], $0x1, v2, vm0, $0x4038;
	[tilespmem:$0x2100] =	vst v63  }
0xf0: {  	(ifvalue) =	ssetifvalue $0x7FFFFFFF;
	v2 =	vadd.s32 $0x16E3E00, v0  }
0xf1: {  	s28 =	sadd.s32 $0xD80, s19;
	(ifvalue) =	ssetifvalue $0x7FFFFFFF  }
0xf2: {  	[tilespmem:s28], [sflag:$0x1] =	stream.indirect_vreg.gather [hbm4b:s2+s13], $0x1, v1, vm0, $0x4038;
	[tilespmem:$0x2100] =	vst v63  }
0xf3: {  	(ifvalue) =	ssetifvalue $0x7FFFFFFF;
	v1 =	vadd.s32 $0x16E3E80, v0  }
0xf4: {  	s29 =	sadd.s32 $0xE00, s19;
	(ifvalue) =	ssetifvalue $0x7FFFFFFF  }
0xf5: {  	[tilespmem:s29], [sflag:$0x1] =	stream.indirect_vreg.gather [hbm4b:s2+s13], $0x1, v2, vm0, $0x4038;
	[tilespmem:$0x2100] =	vst v63  }
0xf6: {  	s31 =	sshll.u32 s14, $0xC;
	(ifvalue) =	ssetifvalue $0x7FFFFFFF;
	v2 =	vadd.s32 $0x16E3F00, v0  }
0xf7: {  	s30 =	sadd.s32 $0xE80, s19;
	s16 =	sand.u32 $0x1000, s31;
	(ifvalue) =	ssetifvalue $0x7FFFFFFF  }
0xf8: {  	[tilespmem:s30], [sflag:$0x1] =	stream.indirect_vreg.gather [hbm4b:s2+s13], $0x1, v1, vm0, $0x4038;
	[tilespmem:$0x2100] =	vst v63  }
0xf9: {  	s17 =	sor.u32 $0x100, s16;
	v0 =	vadd.s32 $0x16E3F80, v0;
	(ifvalue) =	ssetifvalue $0x7FFFFFFF  }
0xfa: {  	s18 =	sadd.s32 $0xF00, s19;
	s20 =	rddreg [dreg:$0x3];
	(ifvalue) =	ssetifvalue $0x7FFFFFFF  }
0xfb: {  	[tilespmem:s18], [sflag:$0x1] =	stream.indirect_vreg.gather [hbm4b:s2+s13], $0x1, v2, vm0, $0x4038;
	[tilespmem:$0x2100] =	vst v63  }
0xfc: {  	s19 =	sadd.s32 $0xF80, s19;
	s21 =	simm.s32 $0x10;
	(ifvalue) =	ssetifvalue $0x7FFFFFFF  }
0xfd: {  	s22 =	sadd.s32 $0x10, s20;
	s18 =	simm.s32 $0x80;
	(ifvalue) =	ssetifvalue $0x7FFFFFFF  }
.LBB2_3:
0xfe: {  	[tilespmem:s19], [sflag:$0x1] =	stream.indirect_vreg.gather [hbm4b:s2+s13], $0x1, v0, vm0, $0x4038;
	[tilespmem:$0x2100] =	vst v63  }
0xff: {  	v0 =	vld.msk [tilespmem:s22+$0x0 ss:$0x1], $0xffff;
	_ =	sdelay $0x4  }
0x100: {  	vm1 =	vgt.s32 v0, $0x0  }
0x101: {  	v0 =	vnsel vm1, $0x0, v0  }
0x102: {  	v0 =	vmin.u32 v0, $0xF423F  }
0x103: {  	v1 =	vshll.u32 v0, $0x3  }
0x104: {  	v0 =	vand.u32 $0x7F, v0;
	v1 =	vand.u32 $0x7FFC00, v1  }
0x105: {  	v0 =	vor.u32 v0, v1;
	_ =	sdelay $0x2  }
0x106: {  	(ifvalue) =	ssetifvalue $0x7FFFFFFF;
	s20 =	rddreg [dreg:$0x4];
	v1 =	vor.u32 $0x80, v0  }
0x107: {  	s20 =	sadd.s32 s21, s20;
	(ifvalue) =	ssetifvalue $0x7FFFFFFF  }
0x108: {  	[tilespmem:s20], [sflag:$0x1] =	stream.indirect_vreg.gather [hbm4b:s2+s13], $0x1, v0, vm0, $0x4038;
	[tilespmem:$0x2100] =	vst v63  }
0x109: {  	v2 =	vor.u32 $0x100, v0;
	(ifvalue) =	ssetifvalue $0x7FFFFFFF  }
0x10a: {  	s21 =	sadd.s32 $0x80, s20;
	(ifvalue) =	ssetifvalue $0x7FFFFFFF  }
0x10b: {  	[tilespmem:s21], [sflag:$0x1] =	stream.indirect_vreg.gather [hbm4b:s2+s13], $0x1, v1, vm0, $0x4038;
	[tilespmem:$0x2100] =	vst v63  }
0x10c: {  	v1 =	vor.u32 $0x180, v0;
	(ifvalue) =	ssetifvalue $0x7FFFFFFF  }
0x10d: {  	s29 =	sadd.s32 $0x100, s20;
	(ifvalue) =	ssetifvalue $0x7FFFFFFF  }
0x10e: {  	[tilespmem:s29], [sflag:$0x1] =	stream.indirect_vreg.gather [hbm4b:s2+s13], $0x1, v2, vm0, $0x4038;
	[tilespmem:$0x2100] =	vst v63  }
0x10f: {  	v2 =	vor.u32 $0x200, v0;
	(ifvalue) =	ssetifvalue $0x7FFFFFFF  }
0x110: {  	s30 =	sadd.s32 $0x180, s20;
	(ifvalue) =	ssetifvalue $0x7FFFFFFF  }
0x111: {  	[tilespmem:s30], [sflag:$0x1] =	stream.indirect_vreg.gather [hbm4b:s2+s13], $0x1, v1, vm0, $0x4038;
	[tilespmem:$0x2100] =	vst v63  }
0x112: {  	(ifvalue) =	ssetifvalue $0x7FFFFFFF;
	v1 =	vor.u32 $0x280, v0  }
0x113: {  	s31 =	sadd.s32 $0x200, s20;
	(ifvalue) =	ssetifvalue $0x7FFFFFFF  }
0x114: {  	[tilespmem:s31], [sflag:$0x1] =	stream.indirect_vreg.gather [hbm4b:s2+s13], $0x1, v2, vm0, $0x4038;
	[tilespmem:$0x2100] =	vst v63  }
0x115: {  	(ifvalue) =	ssetifvalue $0x7FFFFFFF;
	v2 =	vor.u32 $0x300, v0  }
0x116: {  	s22 =	sadd.s32 $0x280, s20;
	(ifvalue) =	ssetifvalue $0x7FFFFFFF  }
0x117: {  	[tilespmem:s22], [sflag:$0x1] =	stream.indirect_vreg.gather [hbm4b:s2+s13], $0x1, v1, vm0, $0x4038;
	[tilespmem:$0x2100] =	vst v63  }
0x118: {  	(ifvalue) =	ssetifvalue $0x7FFFFFFF;
	v1 =	vor.u32 $0x380, v0  }
0x119: {  	s23 =	sadd.s32 $0x300, s20;
	(ifvalue) =	ssetifvalue $0x7FFFFFFF  }
0x11a: {  	[tilespmem:s23], [sflag:$0x1] =	stream.indirect_vreg.gather [hbm4b:s2+s13], $0x1, v2, vm0, $0x4038;
	[tilespmem:$0x2100] =	vst v63  }
0x11b: {  	(ifvalue) =	ssetifvalue $0x7FFFFFFF;
	v2 =	vadd.s32 $0x7A1400, v0  }
0x11c: {  	s24 =	sadd.s32 $0x380, s20;
	(ifvalue) =	ssetifvalue $0x7FFFFFFF  }
0x11d: {  	[tilespmem:s24], [sflag:$0x1] =	stream.indirect_vreg.gather [hbm4b:s2+s13], $0x1, v1, vm0, $0x4038;
	[tilespmem:$0x2100] =	vst v63  }
0x11e: {  	(ifvalue) =	ssetifvalue $0x7FFFFFFF;
	v1 =	vadd.s32 $0x7A1480, v0  }
0x11f: {  	s25 =	sadd.s32 $0x400, s20;
	(ifvalue) =	ssetifvalue $0x7FFFFFFF  }
0x120: {  	[tilespmem:s25], [sflag:$0x1] =	stream.indirect_vreg.gather [hbm4b:s2+s13], $0x1, v2, vm0, $0x4038;
	[tilespmem:$0x2100] =	vst v63  }
0x121: {  	(ifvalue) =	ssetifvalue $0x7FFFFFFF;
	v2 =	vadd.s32 $0x7A1500, v0  }
0x122: {  	s26 =	sadd.s32 $0x480, s20;
	(ifvalue) =	ssetifvalue $0x7FFFFFFF  }
0x123: {  	[tilespmem:s26], [sflag:$0x1] =	stream.indirect_vreg.gather [hbm4b:s2+s13], $0x1, v1, vm0, $0x4038;
	[tilespmem:$0x2100] =	vst v63  }
0x124: {  	(ifvalue) =	ssetifvalue $0x7FFFFFFF;
	v1 =	vadd.s32 $0x7A1580, v0  }
0x125: {  	s28 =	sadd.s32 $0x500, s20;
	(ifvalue) =	ssetifvalue $0x7FFFFFFF  }
0x126: {  	[tilespmem:s28], [sflag:$0x1] =	stream.indirect_vreg.gather [hbm4b:s2+s13], $0x1, v2, vm0, $0x4038;
	[tilespmem:$0x2100] =	vst v63  }
0x127: {  	(ifvalue) =	ssetifvalue $0x7FFFFFFF;
	v2 =	vadd.s32 $0x7A1600, v0  }
0x128: {  	s29 =	sadd.s32 $0x580, s20;
	(ifvalue) =	ssetifvalue $0x7FFFFFFF  }
0x129: {  	[tilespmem:s29], [sflag:$0x1] =	stream.indirect_vreg.gather [hbm4b:s2+s13], $0x1, v1, vm0, $0x4038;
	[tilespmem:$0x2100] =	vst v63  }
0x12a: {  	(ifvalue) =	ssetifvalue $0x7FFFFFFF;
	v1 =	vadd.s32 $0x7A1680, v0  }
0x12b: {  	s30 =	sadd.s32 $0x600, s20;
	(ifvalue) =	ssetifvalue $0x7FFFFFFF  }
0x12c: {  	[tilespmem:s30], [sflag:$0x1] =	stream.indirect_vreg.gather [hbm4b:s2+s13], $0x1, v2, vm0, $0x4038;
	[tilespmem:$0x2100] =	vst v63  }
0x12d: {  	(ifvalue) =	ssetifvalue $0x7FFFFFFF;
	v2 =	vadd.s32 $0x7A1700, v0  }
0x12e: {  	s31 =	sadd.s32 $0x680, s20;
	(ifvalue) =	ssetifvalue $0x7FFFFFFF  }
0x12f: {  	[tilespmem:s31], [sflag:$0x1] =	stream.indirect_vreg.gather [hbm4b:s2+s13], $0x1, v1, vm0, $0x4038;
	[tilespmem:$0x2100] =	vst v63  }
0x130: {  	(ifvalue) =	ssetifvalue $0x7FFFFFFF;
	v1 =	vadd.s32 $0x7A1780, v0  }
0x131: {  	s22 =	sadd.s32 $0x700, s20;
	(ifvalue) =	ssetifvalue $0x7FFFFFFF  }
0x132: {  	[tilespmem:s22], [sflag:$0x1] =	stream.indirect_vreg.gather [hbm4b:s2+s13], $0x1, v2, vm0, $0x4038;
	[tilespmem:$0x2100] =	vst v63  }
0x133: {  	(ifvalue) =	ssetifvalue $0x7FFFFFFF;
	v2 =	vadd.s32 $0xF42800, v0  }
0x134: {  	s23 =	sadd.s32 $0x780, s20;
	(ifvalue) =	ssetifvalue $0x7FFFFFFF  }
0x135: {  	[tilespmem:s23], [sflag:$0x1] =	stream.indirect_vreg.gather [hbm4b:s2+s13], $0x1, v1, vm0, $0x4038;
	[tilespmem:$0x2100] =	vst v63  }
0x136: {  	(ifvalue) =	ssetifvalue $0x7FFFFFFF;
	v1 =	vadd.s32 $0xF42880, v0  }
0x137: {  	s24 =	sadd.s32 $0x800, s20;
	(ifvalue) =	ssetifvalue $0x7FFFFFFF  }
0x138: {  	[tilespmem:s24], [sflag:$0x1] =	stream.indirect_vreg.gather [hbm4b:s2+s13], $0x1, v2, vm0, $0x4038;
	[tilespmem:$0x2100] =	vst v63  }
0x139: {  	(ifvalue) =	ssetifvalue $0x7FFFFFFF;
	v2 =	vadd.s32 $0xF42900, v0  }
0x13a: {  	s25 =	sadd.s32 $0x880, s20;
	(ifvalue) =	ssetifvalue $0x7FFFFFFF  }
0x13b: {  	[tilespmem:s25], [sflag:$0x1] =	stream.indirect_vreg.gather [hbm4b:s2+s13], $0x1, v1, vm0, $0x4038;
	[tilespmem:$0x2100] =	vst v63  }
0x13c: {  	(ifvalue) =	ssetifvalue $0x7FFFFFFF;
	v1 =	vadd.s32 $0xF42980, v0  }
0x13d: {  	s26 =	sadd.s32 $0x900, s20;
	(ifvalue) =	ssetifvalue $0x7FFFFFFF  }
0x13e: {  	[tilespmem:s26], [sflag:$0x1] =	stream.indirect_vreg.gather [hbm4b:s2+s13], $0x1, v2, vm0, $0x4038;
	[tilespmem:$0x2100] =	vst v63  }
0x13f: {  	(ifvalue) =	ssetifvalue $0x7FFFFFFF;
	v2 =	vadd.s32 $0xF42A00, v0  }
0x140: {  	s28 =	sadd.s32 $0x980, s20;
	(ifvalue) =	ssetifvalue $0x7FFFFFFF  }
0x141: {  	[tilespmem:s28], [sflag:$0x1] =	stream.indirect_vreg.gather [hbm4b:s2+s13], $0x1, v1, vm0, $0x4038;
	[tilespmem:$0x2100] =	vst v63  }
0x142: {  	(ifvalue) =	ssetifvalue $0x7FFFFFFF;
	v1 =	vadd.s32 $0xF42A80, v0  }
0x143: {  	s29 =	sadd.s32 $0xA00, s20;
	(ifvalue) =	ssetifvalue $0x7FFFFFFF  }
0x144: {  	[tilespmem:s29], [sflag:$0x1] =	stream.indirect_vreg.gather [hbm4b:s2+s13], $0x1, v2, vm0, $0x4038;
	[tilespmem:$0x2100] =	vst v63  }
0x145: {  	(ifvalue) =	ssetifvalue $0x7FFFFFFF;
	v2 =	vadd.s32 $0xF42B00, v0  }
0x146: {  	s30 =	sadd.s32 $0xA80, s20;
	(ifvalue) =	ssetifvalue $0x7FFFFFFF  }
0x147: {  	[tilespmem:s30], [sflag:$0x1] =	stream.indirect_vreg.gather [hbm4b:s2+s13], $0x1, v1, vm0, $0x4038;
	[tilespmem:$0x2100] =	vst v63  }
0x148: {  	(ifvalue) =	ssetifvalue $0x7FFFFFFF;
	v1 =	vadd.s32 $0xF42B80, v0  }
0x149: {  	s31 =	sadd.s32 $0xB00, s20;
	(ifvalue) =	ssetifvalue $0x7FFFFFFF  }
0x14a: {  	[tilespmem:s31], [sflag:$0x1] =	stream.indirect_vreg.gather [hbm4b:s2+s13], $0x1, v2, vm0, $0x4038;
	[tilespmem:$0x2100] =	vst v63  }
0x14b: {  	(ifvalue) =	ssetifvalue $0x7FFFFFFF;
	v2 =	vadd.s32 $0x16E3C00, v0  }
0x14c: {  	s22 =	sadd.s32 $0xB80, s20;
	(ifvalue) =	ssetifvalue $0x7FFFFFFF  }
0x14d: {  	[tilespmem:s22], [sflag:$0x1] =	stream.indirect_vreg.gather [hbm4b:s2+s13], $0x1, v1, vm0, $0x4038;
	[tilespmem:$0x2100] =	vst v63  }
0x14e: {  	(ifvalue) =	ssetifvalue $0x7FFFFFFF;
	v1 =	vadd.s32 $0x16E3C80, v0  }
0x14f: {  	s23 =	sadd.s32 $0xC00, s20;
	(ifvalue) =	ssetifvalue $0x7FFFFFFF  }
0x150: {  	[tilespmem:s23], [sflag:$0x1] =	stream.indirect_vreg.gather [hbm4b:s2+s13], $0x1, v2, vm0, $0x4038;
	[tilespmem:$0x2100] =	vst v63  }
0x151: {  	(ifvalue) =	ssetifvalue $0x7FFFFFFF;
	v2 =	vadd.s32 $0x16E3D00, v0  }
0x152: {  	s24 =	sadd.s32 $0xC80, s20;
	(ifvalue) =	ssetifvalue $0x7FFFFFFF  }
0x153: {  	[tilespmem:s24], [sflag:$0x1] =	stream.indirect_vreg.gather [hbm4b:s2+s13], $0x1, v1, vm0, $0x4038;
	[tilespmem:$0x2100] =	vst v63  }
0x154: {  	(ifvalue) =	ssetifvalue $0x7FFFFFFF;
	v1 =	vadd.s32 $0x16E3D80, v0  }
0x155: {  	s25 =	sadd.s32 $0xD00, s20;
	(ifvalue) =	ssetifvalue $0x7FFFFFFF  }
0x156: {  	[tilespmem:s25], [sflag:$0x1] =	stream.indirect_vreg.gather [hbm4b:s2+s13], $0x1, v2, vm0, $0x4038;
	[tilespmem:$0x2100] =	vst v63  }
0x157: {  	(ifvalue) =	ssetifvalue $0x7FFFFFFF;
	v2 =	vadd.s32 $0x16E3E00, v0  }
0x158: {  	s26 =	sadd.s32 $0xD80, s20;
	(ifvalue) =	ssetifvalue $0x7FFFFFFF  }
0x159: {  	[tilespmem:s26], [sflag:$0x1] =	stream.indirect_vreg.gather [hbm4b:s2+s13], $0x1, v1, vm0, $0x4038;
	[tilespmem:$0x2100] =	vst v63  }
0x15a: {  	(ifvalue) =	ssetifvalue $0x7FFFFFFF;
	v1 =	vadd.s32 $0x16E3E80, v0  }
0x15b: {  	s28 =	sadd.s32 $0xE00, s20;
	(ifvalue) =	ssetifvalue $0x7FFFFFFF  }
0x15c: {  	[tilespmem:s28], [sflag:$0x1] =	stream.indirect_vreg.gather [hbm4b:s2+s13], $0x1, v2, vm0, $0x4038;
	[tilespmem:$0x2100] =	vst v63  }
0x15d: {  	(ifvalue) =	ssetifvalue $0x7FFFFFFF;
	v2 =	vadd.s32 $0x16E3F00, v0  }
0x15e: {  	p1 =	sne.s32 s18, $0x1C0;
	s29 =	sadd.s32 $0xE80, s20;
	(ifvalue) =	ssetifvalue $0x7FFFFFFF  }
0x15f: {  	[tilespmem:s29], [sflag:$0x1] =	stream.indirect_vreg.gather [hbm4b:s2+s13], $0x1, v1, vm0, $0x4038;
	[tilespmem:$0x2100] =	vst v63  }
.Ltmp3:
0x160: {  	s19 =	smov.u32 s18;
	(ifvalue) =	ssetifvalue $0x7FFFFFFF;
	(pc) =	sbr.rel @p1 .LBB2_3-.Ltmp3, $4  }
0x161: {  	s31 =	sadd.s32 $0xF00, s20;
	s30 =	rddreg [dreg:$0x3];
	(ifvalue) =	ssetifvalue $0x7FFFFFFF  }
0x162: {  	[tilespmem:s31], [sflag:$0x1] =	stream.indirect_vreg.gather [hbm4b:s2+s13], $0x1, v2, vm0, $0x4038;
	[tilespmem:$0x2100] =	vst v63  }
0x163: {  	s18 =	sadd.s32 $0x40, s18;
	s21 =	sshra.s32 s19, $0x2;
	(ifvalue) =	ssetifvalue $0x7FFFFFFF  }
0x164: {  	s19 =	sadd.s32 $0xF80, s20;
	v0 =	vadd.s32 $0x16E3F80, v0;
	s22 =	sadd.s32 s21, s30;
	(ifvalue) =	ssetifvalue $0x7FFFFFFF  }
.Ltmp4:
0x165: {  	_ = 	snop;
	(pc) =	sbr.rel .LBB2_4-.Ltmp4, $1  }
0x166: {  	_ =	sdelay $0x3  }
.LBB2_6:
0x167: {  	_ =	sfence.sel $0x180000  }
0x168: {  	s2 =	simm.s32 $0x2;
	[bflag:$0x0] =	sbarrier.arrive $0xFFFF  }
0x169: {  	s30 =	simm.s32 $0x3;
	[sflag:s2] =	ssyncpa.u1 $0x1  }
0x16a: {  	s31 =	simm.s32 $0x1;
	[sflag:s30] =	ssyncpa.u1 $0x1  }
0x16b: {  	[sflag:s31] =	ssyncpa.u1 $0x1  }
0x16c: {  	p0 =	sne.s32 s0, $0x0;
	_ =	strace $0x90000050  }
0x16d: {  	s0 =	sadd.s32 @!p0 $0x100000, s1;
	[bflag:$0x2] =	sbarrier.arrive $0xFFFF  }
0x16e: {  	[sflag:s0] =	ssyncadd.tile.s32 @!p0 $0x1;
	_ =	shalt  }
.Lfunc_end2:
_tile_overlayer_lowered:
.L_overlay_start_2:
0x16f: {  	(tag) =	ssettag $0x2  }
0x170: {  	s0 =	rddreg [dreg:$0x0];
	s2 =	stileid.u32  }
0x171: {  	s1 =	rddreg [dreg:$0x1];
	p0 =	sne.s32 s2, $0x0  }
0x172: {  	s3 =	rddreg [dreg:$0x2];
	[bflag:$0x3] =	sbarrier.arrive $0xFFFF;
	s2 =	simm.s32 @!p0 $0x1C01  }
0x173: {  	[timem:s3], [sflag:s2] =	dma.local @!p0 [hbm:s0], s1  }
0x174: {  	s0 =	simm.s32 @!p0 $0x1  }
0x175: {  	_ =	swait.ge @!p0 [sflag:s0], s1  }
0x176: {  	s1 =	ssub.s32 @!p0 $0x0, s1;
	[sflag:s0] =	ssyncset.done @!p0 $0x0  }
0x177: {  	[sflag:s0] =	ssyncadd.s32 @!p0 s1  }
0x178: {  	[bflag:$0x3] =	sbarrier.arrive $0xFFFF  }
0x179: {  	_ =	shalt  }

// kernel: gather_offload_async_start.2
scs
__scs_entry_jumppad:
0x0: {  	(pc) =	sbr.rel $0x88, $3  }
0x1: {  	(tag) =	ssettag $0x0;
	lr =	simm.s32 $0x1  }
0x2: {  	[smem:$0x3F9B] =	sst lr;
	_ =	strace $0xD0000000  }
0x3: {  	_ = 	snop  }
0x4: {  	_ = 	snop  }
0x5: {  	_ = 	snop  }
0x6: {  	_ = 	snop  }
0x7: {  	_ = 	snop  }
__scs_overlays_trampoline_lowered:
0x8: {  	[smem:$0x3FAA] =	sst s0  }
0x9: {  	[smem:$0x3FAB] =	sst s1  }
0xa: {  	[smem:$0x3FAC] =	sst s2  }
0xb: {  	[smem:$0x3FAD] =	sst s3  }
0xc: {  	[smem:$0x3FAE] =	sst s4  }
0xd: {  	[smem:$0x3FAF] =	sst s5  }
0xe: {  	[smem:$0x3FB0] =	sst s6  }
0xf: {  	[smem:$0x3FB1] =	sst s7  }
0x10: {  	[smem:$0x3FB2] =	sst s8  }
0x11: {  	[smem:$0x3FB3] =	sst s9;
	s0 =	simm.s32 @!p0 $0x0  }
0x12: {  	s1 =	sld [smem:$0x3F99];
	s0 =	simm.s32 @p0 $0x1  }
0x13: {  	[smem:$0x3FB4] =	sst s0;
	s0 =	simm.s32 @!p1 $0x0  }
0x14: {  	s2 =	sld [smem:$0x3F98];
	s0 =	simm.s32 @p1 $0x1  }
0x15: {  	[smem:$0x3FB5] =	sst s0;
	s0 =	simm.s32 @!p2 $0x0  }
0x16: {  	s3 =	sld [smem:$0x3FDB];
	s0 =	simm.s32 @p2 $0x1  }
0x17: {  	s4 =	simm.s32 $0x1BF5;
	[smem:$0x3FB7] =	sst s0  }
0x18: {  	s0 =	sld [smem:$0x3F9A];
	_ =	swait.ge [sflag:s4], $0x0  }
0x19: {  	s7 =	sld [smem:$0x3F9B]  }
0x1a: {  	s8 =	sadd.s32 $0xFFFFE003, lr  }
0x1b: {  	s9 =	sadd.s32 $0xFFFFFEF7, lr;
	s5 =	simm.s32 $0xFFFFFFFF;
	p2 =	slt.u32 s8, $0xFFFFF086  }
0x1c: {  	p1 =	slt.u32 s9, $0xF7A;
	s5 =	simm.s32 @!p2 $0x0  }
0x1d: {  	s5 =	simm.s32 @p1 $0x1;
	p0 =	seq.s32 s7, s2  }
0x1e: {  	s7 =	smul.u32 @!p0 $0xF7A, s2;
	p2 =	seq.s32 @!p0 s5, $0x0  }
0x1f: {  	s9 =	smul.u32 $0xF7A, s1;
	s8 =	simm.s32 @!p0 $0x1BF5;
	p2 =	por !p2, p0  }
0x20: {  	[sflag:s8] =	ssyncset.s32 @!p0 $0xFFFFF086;
	s6 =	sadd.s32 @!p0 s3, s7;
	s7 =	simm.s32 @!p0 $0x108  }
0x21: {  	s3 =	sadd.s32 s3, s9;
	s6 =	sadd.s32 @!p0 $0x88, s6;
	s7 =	simm.s32 @p2 $0x1082  }
0x22: {  	[simem:s7], [sflag:s8] =	dma.local @!p0 [hbm:s6], $0xF7A  }
0x23: {  	s9 =	sor.u32 $0xD0000000, s2;
	s6 =	simm.s32 $0x108;
	_ =	swait.ge @!p0 [sflag:s8], $0x0  }
0x24: {  	s3 =	sadd.s32 $0x88, s3;
	s6 =	simm.s32 @!p1 $0x1082;
	[sflag:s4] =	ssyncset.s32 $0xFFFFF086  }
0x25: {  	[simem:s6], [sflag:s4] =	dma.local [hbm:s3], $0xF7A  }
0x26: {  	[smem:$0x3F9B] =	sst s1;
	(tag) =	ssettag s2;
	_ =	strace s9  }
0x27: {  	s1 =	sld [smem:$0x3FAB]  }
0x28: {  	s2 =	sld [smem:$0x3FAC]  }
0x29: {  	s4 =	sld [smem:$0x3FAE]  }
0x2a: {  	p0 =	seq.s32 s5, $0x0;
	s5 =	sld [smem:$0x3FAF]  }
0x2b: {  	s6 =	sld [smem:$0x3FB0]  }
0x2c: {  	s7 =	sld [smem:$0x3FB1]  }
0x2d: {  	s3 =	simm.s32 $0x108;
	s8 =	sld [smem:$0x3FB2]  }
0x2e: {  	s3 =	simm.s32 @!p0 $0x1082;
	s9 =	sld [smem:$0x3FB3]  }
0x2f: {  	lr =	sadd.s32 s0, s3;
	s0 =	sld [smem:$0x3FAA]  }
0x30: {  	s3 =	sld [smem:$0x3FAD]  }
0x31: {  	[smem:$0x3FB6] =	sst s10  }
0x32: {  	s10 =	sld [smem:$0x3FB4];
	_ =	sdelay $0x3  }
0x33: {  	p0 =	seq.s32 s10, $0x1;
	s10 =	sld [smem:$0x3FB6];
	_ =	sdelay $0x3  }
0x34: {  	[smem:$0x3FB6] =	sst s10  }
0x35: {  	s10 =	sld [smem:$0x3FB5];
	_ =	sdelay $0x3  }
0x36: {  	p1 =	seq.s32 s10, $0x1;
	s10 =	sld [smem:$0x3FB6];
	_ =	sdelay $0x3  }
0x37: {  	[smem:$0x3FB6] =	sst s10  }
0x38: {  	s10 =	sld [smem:$0x3FB7]  }
0x39: {  	_ = 	snop;
	(pc) =	sbr.ind lr, $3  }
0x3a: {  	_ = 	snop  }
0x3b: {  	_ = 	snop  }
0x3c: {  	p2 =	seq.s32 s10, $0x1;
	s10 =	sld [smem:$0x3FB6]  }
0x3d: {  	_ =	shalt  }
0x3e: {  	_ =	shalt  }
0x3f: {  	_ =	shalt  }
0x40: {  	_ =	shalt  }
0x41: {  	_ =	shalt  }
0x42: {  	_ =	shalt  }
0x43: {  	_ =	shalt  }
0x44: {  	_ =	shalt  }
0x45: {  	_ =	shalt  }
0x46: {  	_ =	shalt  }
0x47: {  	_ =	shalt  }
0x48: {  	_ =	shalt  }
0x49: {  	_ =	shalt  }
0x4a: {  	_ =	shalt  }
0x4b: {  	_ =	shalt  }
0x4c: {  	_ =	shalt  }
0x4d: {  	_ =	shalt  }
0x4e: {  	_ =	shalt  }
0x4f: {  	_ =	shalt  }
0x50: {  	_ =	shalt  }
0x51: {  	_ =	shalt  }
0x52: {  	_ =	shalt  }
0x53: {  	_ =	shalt  }
0x54: {  	_ =	shalt  }
0x55: {  	_ =	shalt  }
0x56: {  	_ =	shalt  }
0x57: {  	_ =	shalt  }
0x58: {  	_ =	shalt  }
0x59: {  	_ =	shalt  }
0x5a: {  	_ =	shalt  }
0x5b: {  	_ =	shalt  }
0x5c: {  	_ =	shalt  }
0x5d: {  	_ =	shalt  }
0x5e: {  	_ =	shalt  }
0x5f: {  	_ =	shalt  }
0x60: {  	_ =	shalt  }
0x61: {  	_ =	shalt  }
0x62: {  	_ =	shalt  }
0x63: {  	_ =	shalt  }
0x64: {  	_ =	shalt  }
0x65: {  	_ =	shalt  }
0x66: {  	_ =	shalt  }
0x67: {  	_ =	shalt  }
0x68: {  	_ =	shalt  }
0x69: {  	_ =	shalt  }
0x6a: {  	_ =	shalt  }
0x6b: {  	_ =	shalt  }
0x6c: {  	_ =	shalt  }
0x6d: {  	_ =	shalt  }
0x6e: {  	_ =	shalt  }
0x6f: {  	_ =	shalt  }
0x70: {  	_ =	shalt  }
0x71: {  	_ =	shalt  }
0x72: {  	_ =	shalt  }
0x73: {  	_ =	shalt  }
0x74: {  	_ =	shalt  }
0x75: {  	_ =	shalt  }
0x76: {  	_ =	shalt  }
0x77: {  	_ =	shalt  }
0x78: {  	_ =	shalt  }
0x79: {  	_ =	shalt  }
0x7a: {  	_ =	shalt  }
0x7b: {  	_ =	shalt  }
0x7c: {  	_ =	shalt  }
0x7d: {  	_ =	shalt  }
0x7e: {  	_ =	shalt  }
0x7f: {  	_ =	shalt  }
0x80: {  	_ =	shalt  }
0x81: {  	_ =	shalt  }
0x82: {  	_ =	shalt  }
0x83: {  	_ =	shalt  }
0x84: {  	_ =	shalt  }
0x85: {  	_ =	shalt  }
0x86: {  	_ =	shalt  }
0x87: {  	_ =	shalt  }
.Lfunc_end0:
.L_simem_size_0:
called_computation.2_lowered:
.L_overlay_start_0:
0x88: {  	s2 =	sld [smem:$0x3FD9]  }
0x89: {  	s3 =	sld [smem:$0x3FFE];
	_ =	sdelay $0x1  }
0x8a: {  	s1 =	srdreg.scid  }
0x8b: {  	s0 =	sand.u32 $0x1, s1  }
0x8c: {  	s17 =	sshll.u32 s0, $0xA;
	s2 =	sadd.s32 s3, s2  }
0x8d: {  	s2 =	sadd.s32 s2, s17  }
0x8e: {  	[smem:$0x3FC2] =	sst s2  }
0x8f: {  	_ = 	snop  }
0x90: {  	s2 =	sld [smem:$0x3FC5]  }
0x91: {  	s18 =	sld [smem:$0x3FD0];
	(tm) =	ssettm $0x1  }
0x92: {  	s4 =	sld [smem:$0x3FFB];
	_ =	sdelay $0x3  }
0x93: {  	_ =	strace s4  }
0x94: {  	s4 =	sld [smem:$0x3FFC];
	_ =	sdelay $0x3  }
0x95: {  	_ =	strace s4  }
0x96: {  	s4 =	sld [smem:$0x3FFD];
	_ =	sdelay $0x3  }
0x97: {  	_ =	strace s4  }
0x98: {  	_ =	strace $0x8FFFFFFF  }
0x99: {  	s19 =	sld [smem:$0x3FDB];
	_ =	sdelay $0x1  }
0x9a: {  	s5 =	simm.s32 $_scs_section_size  }
0x9b: {  	s6 =	simm.s32 $_size__tile_overlayer_lowered;
	s7 =	simm.s32 $_tile_overlayer_lowered  }
0x9c: {  	s22 =	simm.s32 $0x1BFF;
	s21 =	sshll.u32 s7, $0x1;
	s4 =	sadd.s32 s5, s19  }
0x9d: {  	s8 =	simm.s32 $0x0;
	s20 =	sshll.u32 s6, $0x1;
	s6 =	sadd.s32 s21, s4  }
0x9e: {  	[timem:s8], [sflag:s22] =	dma.local [hbm:s6], s20  }
0x9f: {  	_ =	swait.ge [sflag:s22], s20  }
0xa0: {  	s5 =	ssub.s32 $0x0, s20;
	[sflag:s22] =	ssyncset.done $0x0  }
0xa1: {  	[sflag:s22] =	ssyncadd.s32 s5;
	_ =	sdelay $0x1  }
0xa2: {  	s23 =	simm.s32 $0x1B8B  }
0xa3: {  	_ =	swait.ge [sflag:s23], $0x1  }
0xa4: {  	[sflag:s23] =	ssyncset.done $0x0  }
0xa5: {  	s25 =	simm.s32 $0x1B8E;
	s24 =	sld [smem:$0x3FFE];
	[sflag:s23] =	ssyncadd.s32 $0xFFFFFFFF  }
0xa6: {  	s26 =	simm.s32 $execute0_lowered;
	[smem:$0x3FD2] =	sst s25  }
0xa7: {  	s6 =	sshll.u32 s26, $0x1;
	_ =	strace $0x80000046;
	[dreg:$0x1] =	wrdreg $0xFFFFFFFF  }
0xa8: {  	s28 =	simm.s32 $_size_execute0_lowered;
	s4 =	sadd.s32 s4, s6;
	[dreg:$0x0] =	wrdreg $0x0  }
0xa9: {  	s6 =	sshll.u32 s28, $0x1;
	[dreg:$0x2] =	wrdreg s4  }
0xaa: {  	[dreg:$0x3] =	wrdreg s6  }
0xab: {  	[dreg:$0x4] =	wrdreg $0xC0  }
0xac: {  	_ =	task [dreg:s8], $0x5FFFF  }
0xad: {  	[dreg:$0x1] =	wrdreg $0xFFFFFFFF  }
0xae: {  	[dreg:$0x0] =	wrdreg $0x60  }
0xaf: {  	[dreg:$0x2] =	wrdreg s2  }
0xb0: {  	[dreg:$0x3] =	wrdreg s18  }
0xb1: {  	[dreg:$0x4] =	wrdreg s24  }
0xb2: {  	[dreg:$0x5] =	wrdreg $0x9  }
0xb3: {  	_ =	task.clear_ibuf [dreg:s8], $0x6FFFF;
	_ =	strace $0x90000046  }
0xb4: {  	s29 =	simm.s32 $0x9;
	_ =	strace $0x80000048  }
0xb5: {  	_ =	swait.ge [sflag:s29], $0x1  }
0xb6: {  	[sflag:s29] =	ssyncadd.s32 $0xFFFFFFFF  }
0xb7: {  	_ =	strace $0x90000048  }
0xb8: {  	_ =	sfence  }
0xb9: {  	s30 =	sld [smem:$0x0];
	_ =	sdelay $0x2  }
0xba: {  	s31 =	sshll.u32 s1, $0xD;
	s1 =	sshrl.u32 s1, $0x2  }
0xbb: {  	s3 =	sand.u32 $0x4000, s31;
	s1 =	sadd.s32 s1, s30  }
0xbc: {  	s0 =	sor.u32 s3, s0;
	s1 =	sshll.u32 s1, $0x11  }
0xbd: {  	s0 =	sor.u32 s1, s0  }
0xbe: {  	s0 =	sadd.s32 $0x8F2B, s0  }
0xbf: {  	[sflag:s0] =	ssyncadd.remote.s32 $0x1  }
0xc0: {  	_ =	sfence.sel $0xFFFF  }
0xc1: {  	[dreg:$0x0] =	wrdreg $0xFFFFFFFF;
	(pc) =	sbr.abs _section_cstart, $3  }
0xc2: {  	[dreg:$0x1] =	wrdreg $0xFFFFFFFF  }
0xc3: {  	_ =	task.clear_ibuf [dreg:s8], $0x2FFFF;
	_ =	strace $0x9FFFFFFF  }
0xc4: {  	(tm) =	ssettm $0x7FFFFFFF  }
0xc5: {  	_ =	shalt  }
tec
execute0_lowered:
.L_overlay_start_1:
0x0: {  	(tag) =	ssettag $0x1  }
0x1: {  	s2 =	rddreg [dreg:$0x0]  }
0x2: {  	s1 =	srdreg.scid;
	s3 =	rddreg [dreg:$0x1]  }
0x3: {  	s0 =	stileid.u32;
	s5 =	rddreg [dreg:$0x2]  }
0x4: {  	s9 =	simm.s32 $0x1;
	s10 =	simm.s32 $0x3;
	s1 =	sshll.u32 s1, $0x6  }
0x5: {  	s13 =	simm.s32 $0x0;
	s4 =	sshll.u32 s0, $0x7;
	s6 =	sand.u32 $0x40, s1  }
0x6: {  	s12 =	simm.s32 $0x0;
	s5 =	sadd.s32 $0x2200, s5;
	s4 =	sor.u32 s4, s6  }
0x7: {  	s1 =	rddreg [dreg:$0x3];
	_ =	strace $0x80000047;
	s8 =	ssub.s32 $0x1000, s4  }
.Ltmp0:
0x8: {  	s6 =	simm.s32 $0x1;
	s7 =	sand.u32 $0x7C0, s8;
	(pc) =	sbr.rel .LBB2_1-.Ltmp0, $4  }
0x9: {  	[sflag:s6] =	ssyncpa.u1 $0x0;
	s11 =	smov.u32 s4;
	p0 =	sne.s32 s7, $0x0  }
0xa: {  	s8 =	sshrl.u32 s8, $0xB;
	s7 =	simm.s32 $0x2;
	s9 =	simm.s32 @!p0 $0x0  }
0xb: {  	[sflag:s7] =	ssyncpa.u1 $0x0;
	p0 =	por $0x0, $0x0;
	s8 =	sadd.s32 s9, s8  }
0xc: {  	vm0 =	vmmov $0xffff;
	v0 =	vimm.s32 $0x0;
	[sflag:s10] =	ssyncpa.u1 $0x0;
	s10 =	simm.s32 $0x0;
	s9 =	sadd.s32 $0x1, s8  }
.LBB2_4:
0xd: {  	vm1 =	veq.s32 v2, $0x80000000;
	v2 =	vand.u32 $0xFFFFF, v2  }
0xe: {  	v4 =	vadd.s32 v5, v4;
	v2 =	vsel vm1, $0xFFFFFFFF, v2  }
0xf: {  	v3 =	vor.u32 v3, v4;
	v63 =	vsel vm1, $0xFFF0BD80, v0;
	v62 =	vand.u32 $0xFFFFFF80, v2  }
0x10: {  	v2 =	vand.u32 $0x7F, v2;
	v4 =	vadd.s32 v63, v62  }
0x11: {  	v2 =	vor.u32 v2, v4  }
0x12: {  	[tilespmem:s15], [sflag:$0x1] =	stream.indirect_vreg.gather [hbm4b:s2+s10], $0x1, v1, vm0, $0x4038;
	[tilespmem:$0x100] =	vst v63  }
0x13: {  	(ifvalue) =	ssetifvalue $0x7FFFFFFF  }
0x14: {  	[tilespmem:s16], [sflag:$0x1] =	stream.indirect_vreg.gather [hbm4b:s2+s10], $0x1, v3, vm0, $0x4038;
	[tilespmem:$0x100] =	vst v63  }
0x15: {  	s29 =	sadd.s32 $0x10, s16;
	(ifvalue) =	ssetifvalue $0x7FFFFFFF  }
0x16: {  	[tilespmem:s29], [sflag:$0x1] =	stream.indirect_vreg.gather [hbm4b:s2+s10], $0x1, v2, vm0, $0x4038;
	[tilespmem:$0x100] =	vst v63  }
0x17: {  	_ =	swait.ge [sflag:s6], $0x40  }
0x18: {  	s30 =	sshrl.u32 s13, $0x3;
	[sflag:s6] =	ssyncset.done $0x0  }
0x19: {  	s31 =	sand.u32 $0x7, s13;
	s15 =	sadd.s32 s5, s30;
	[sflag:s6] =	ssyncadd.s32 $0xFFFFFFC0  }
0x1a: {  	[hbm4b:s15+s31] =	stream.linear.scatter [tilespmem:s14], [sflag:$0x3], $0x40, $0x38;
	[tilespmem:$0x100] =	vst v63  }
.LBB2_5:
0x1b: {  	s15 =	sadd.s32 $0x800, s11  }
0x1c: {  	p2 =	sgt.s32 s15, $0xFFF  }
0x1d: {  	s15 =	smov.u32 @p2 s4;
	p2 =	sne.s32 s12, s9  }
.Ltmp1:
0x1e: {  	p1 =	slt.u32 s12, $0x2;
	(pc) =	sbr.rel @!p2 .LBB2_6-.Ltmp1, $4  }
0x1f: {  	s14 =	simm.s32 @!p1 $0x3  }
0x20: {  	s16 =	sadd.s32 $0x1, s12;
	_ =	swait.ge @!p1 [sflag:s14], $0x40  }
0x21: {  	s13 =	smov.u32 s11;
	p0 =	por !p0, !p0;
	[sflag:s14] =	ssyncset.done @!p1 $0x0  }
0x22: {  	s12 =	smov.u32 s16;
	s11 =	smov.u32 s15;
	[sflag:s14] =	ssyncadd.s32 @!p1 $0xFFFFFFC0  }
.LBB2_1:
0x23: {  	p1 =	sge.u32 s12, s8  }
0x24: {  	s14 =	sxor.u32 @!p1 $0xFFFFFFFF, s12  }
0x25: {  	s31 =	sadd.s32 $0xFFFFFFFF, s12;
	s15 =	sshrl.u32 @!p1 s11, $0x3;
	s14 =	sshll.u32 @!p1 s14, $0x6  }
0x26: {  	s16 =	sand.u32 @!p1 $0x7, s11;
	s15 =	sadd.s32 @!p1 s3, s15;
	s14 =	sand.u32 @!p1 $0x40, s14  }
0x27: {  	[tilespmem:s14], [sflag:$0x2] =	stream.linear.gather @!p1 [hbm4b:s15+s16], $0x40, $0x38;
	[tilespmem:$0x100] =	vst v63  }
0x28: {  	p1 =	sge.u32 s31, s8  }
.Ltmp2:
0x29: {  	_ = 	snop;
	(pc) =	sbr.rel @p1 .LBB2_5-.Ltmp2, $1  }
0x2a: {  	_ =	sdelay $0x3  }
0x2b: {  	s14 =	simm.s32 $0x1  }
0x2c: {  	_ =	swait.ge [sflag:s7], $0x40;
	s14 =	simm.s32 @!p0 $0x0  }
0x2d: {  	[sflag:s7] =	ssyncset.done $0x0;
	s14 =	sshll.u32 s14, $0x6  }
0x2e: {  	[sflag:s7] =	ssyncadd.s32 $0xFFFFFFC0;
	(ifvalue) =	ssetifvalue $0x7FFFFFFF;
	v1 =	vld.msk [tilespmem:s14+$0x0 ss:$0x1], $0xffff;
	_ =	sdelay $0x4  }
0x2f: {  	s15 =	sadd.s32 $0x10, s14;
	vm1 =	veq.s32 v1, $0x80000000;
	v1 =	vand.u32 $0xFFFFF, v1  }
0x30: {  	v2 =	vld.msk [tilespmem:s15+$0x0 ss:$0x1], $0xffff;
	v1 =	vsel vm1, $0xFFFFFFFF, v1  }
0x31: {  	v4 =	vsel vm1, $0xFFF0BD80, v0;
	v3 =	vand.u32 $0xFFFFFF80, v1  }
0x32: {  	v1 =	vand.u32 $0x7F, v1;
	v3 =	vadd.s32 v4, v3  }
0x33: {  	v1 =	vor.u32 v1, v3;
	_ =	sdelay $0x1  }
0x34: {  	s16 =	sshll.u32 s12, $0x6;
	s18 =	simm.s32 $0x20;
	vm1 =	veq.s32 v2, $0x80000000;
	v4 =	vand.u32 $0xFFFFF, v2  }
0x35: {  	s16 =	sand.u32 $0x40, s16;
	s17 =	sadd.s32 $0x10, s15;
	s15 =	sor.u32 $0x80, s14;
	v3 =	vsel vm1, $0xFFFFFFFF, v4  }
0x36: {  	s14 =	sor.u32 $0x80, s16;
	s16 =	sadd.s32 $0x10, s15;
	v5 =	vsel vm1, $0xFFF0BD80, v0;
	v2 =	vld.msk [tilespmem:s17+$0x0 ss:$0x1], $0xffff;
	(ifvalue) =	ssetifvalue $0x7FFFFFFF;
	v4 =	vand.u32 $0xFFFFFF80, v3;
	v3 =	vand.u32 $0x7F, v3  }
.LBB2_3:
0x37: {  	[tilespmem:s15], [sflag:$0x1] =	stream.indirect_vreg.gather [hbm4b:s2+s10], $0x1, v1, vm0, $0x4038;
	[tilespmem:$0x100] =	vst v63  }
0x38: {  	s18 =	sadd.s32 $0x10, s18  }
0x39: {  	v4 =	vadd.s32 v5, v4;
	p1 =	slt.u32 s18, $0x30  }
.Ltmp3:
0x3a: {  	s15 =	smov.u32 s16;
	v1 =	vor.u32 v3, v4;
	(pc) =	sbr.rel @p1 .LBB2_3-.Ltmp3, $4  }
0x3b: {  	s17 =	sadd.s32 $0x10, s17  }
0x3c: {  	vm1 =	veq.s32 v2, $0x80000000;
	v3 =	vand.u32 $0xFFFFF, v2;
	v2 =	vld.msk [tilespmem:s17+$0x0 ss:$0x1], $0xffff  }
0x3d: {  	v3 =	vsel vm1, $0xFFFFFFFF, v3  }
0x3e: {  	s16 =	sadd.s32 $0x10, s16;
	v5 =	vsel vm1, $0xFFF0BD80, v0;
	v4 =	vand.u32 $0xFFFFFF80, v3;
	v3 =	vand.u32 $0x7F, v3;
	(ifvalue) =	ssetifvalue $0x7FFFFFFF  }
.Ltmp4:
0x3f: {  	_ = 	snop;
	(pc) =	sbr.rel .LBB2_4-.Ltmp4, $1  }
0x40: {  	_ =	sdelay $0x3  }
.LBB2_6:
0x41: {  	_ =	sfence.sel $0x180000  }
0x42: {  	s2 =	simm.s32 $0x2;
	[bflag:$0x0] =	sbarrier.arrive $0xFFFF  }
0x43: {  	s30 =	simm.s32 $0x3;
	[sflag:s2] =	ssyncpa.u1 $0x1  }
0x44: {  	s31 =	simm.s32 $0x1;
	[sflag:s30] =	ssyncpa.u1 $0x1  }
0x45: {  	[sflag:s31] =	ssyncpa.u1 $0x1  }
0x46: {  	p0 =	sne.s32 s0, $0x0;
	_ =	strace $0x90000047  }
0x47: {  	s0 =	sadd.s32 @!p0 $0x100000, s1;
	[bflag:$0x2] =	sbarrier.arrive $0xFFFF  }
0x48: {  	[sflag:s0] =	ssyncadd.tile.s32 @!p0 $0x1;
	_ =	shalt  }
.Lfunc_end2:
_tile_overlayer_lowered:
.L_overlay_start_2:
0x49: {  	(tag) =	ssettag $0x2  }
0x4a: {  	s0 =	rddreg [dreg:$0x0];
	s2 =	stileid.u32  }
0x4b: {  	s1 =	rddreg [dreg:$0x1];
	p0 =	sne.s32 s2, $0x0  }
0x4c: {  	s3 =	rddreg [dreg:$0x2];
	[bflag:$0x3] =	sbarrier.arrive $0xFFFF;
	s2 =	simm.s32 @!p0 $0x1C01  }
0x4d: {  	[timem:s3], [sflag:s2] =	dma.local @!p0 [hbm:s0], s1  }
0x4e: {  	s0 =	simm.s32 @!p0 $0x1  }
0x4f: {  	_ =	swait.ge @!p0 [sflag:s0], s1  }
0x50: {  	s1 =	ssub.s32 @!p0 $0x0, s1;
	[sflag:s0] =	ssyncset.done @!p0 $0x0  }
0x51: {  	[sflag:s0] =	ssyncadd.s32 @!p0 s1  }
0x52: {  	[bflag:$0x3] =	sbarrier.arrive $0xFFFF  }
0x53: {  	_ =	shalt  }

// kernel: gather_offload_async_start.3
scs
__scs_entry_jumppad:
0x0: {  	(pc) =	sbr.rel $0x88, $3  }
0x1: {  	(tag) =	ssettag $0x0;
	lr =	simm.s32 $0x1  }
0x2: {  	[smem:$0x3F9B] =	sst lr;
	_ =	strace $0xD0000000  }
0x3: {  	_ = 	snop  }
0x4: {  	_ = 	snop  }
0x5: {  	_ = 	snop  }
0x6: {  	_ = 	snop  }
0x7: {  	_ = 	snop  }
__scs_overlays_trampoline_lowered:
0x8: {  	[smem:$0x3FAA] =	sst s0  }
0x9: {  	[smem:$0x3FAB] =	sst s1  }
0xa: {  	[smem:$0x3FAC] =	sst s2  }
0xb: {  	[smem:$0x3FAD] =	sst s3  }
0xc: {  	[smem:$0x3FAE] =	sst s4  }
0xd: {  	[smem:$0x3FAF] =	sst s5  }
0xe: {  	[smem:$0x3FB0] =	sst s6  }
0xf: {  	[smem:$0x3FB1] =	sst s7  }
0x10: {  	[smem:$0x3FB2] =	sst s8  }
0x11: {  	[smem:$0x3FB3] =	sst s9;
	s0 =	simm.s32 @!p0 $0x0  }
0x12: {  	s1 =	sld [smem:$0x3F99];
	s0 =	simm.s32 @p0 $0x1  }
0x13: {  	[smem:$0x3FB4] =	sst s0;
	s0 =	simm.s32 @!p1 $0x0  }
0x14: {  	s2 =	sld [smem:$0x3F98];
	s0 =	simm.s32 @p1 $0x1  }
0x15: {  	[smem:$0x3FB5] =	sst s0;
	s0 =	simm.s32 @!p2 $0x0  }
0x16: {  	s3 =	sld [smem:$0x3FDB];
	s0 =	simm.s32 @p2 $0x1  }
0x17: {  	s4 =	simm.s32 $0x1BF5;
	[smem:$0x3FB7] =	sst s0  }
0x18: {  	s0 =	sld [smem:$0x3F9A];
	_ =	swait.ge [sflag:s4], $0x0  }
0x19: {  	s7 =	sld [smem:$0x3F9B]  }
0x1a: {  	s8 =	sadd.s32 $0xFFFFE003, lr  }
0x1b: {  	s9 =	sadd.s32 $0xFFFFFEF7, lr;
	s5 =	simm.s32 $0xFFFFFFFF;
	p2 =	slt.u32 s8, $0xFFFFF086  }
0x1c: {  	p1 =	slt.u32 s9, $0xF7A;
	s5 =	simm.s32 @!p2 $0x0  }
0x1d: {  	s5 =	simm.s32 @p1 $0x1;
	p0 =	seq.s32 s7, s2  }
0x1e: {  	s7 =	smul.u32 @!p0 $0xF7A, s2;
	p2 =	seq.s32 @!p0 s5, $0x0  }
0x1f: {  	s9 =	smul.u32 $0xF7A, s1;
	s8 =	simm.s32 @!p0 $0x1BF5;
	p2 =	por !p2, p0  }
0x20: {  	[sflag:s8] =	ssyncset.s32 @!p0 $0xFFFFF086;
	s6 =	sadd.s32 @!p0 s3, s7;
	s7 =	simm.s32 @!p0 $0x108  }
0x21: {  	s3 =	sadd.s32 s3, s9;
	s6 =	sadd.s32 @!p0 $0x88, s6;
	s7 =	simm.s32 @p2 $0x1082  }
0x22: {  	[simem:s7], [sflag:s8] =	dma.local @!p0 [hbm:s6], $0xF7A  }
0x23: {  	s9 =	sor.u32 $0xD0000000, s2;
	s6 =	simm.s32 $0x108;
	_ =	swait.ge @!p0 [sflag:s8], $0x0  }
0x24: {  	s3 =	sadd.s32 $0x88, s3;
	s6 =	simm.s32 @!p1 $0x1082;
	[sflag:s4] =	ssyncset.s32 $0xFFFFF086  }
0x25: {  	[simem:s6], [sflag:s4] =	dma.local [hbm:s3], $0xF7A  }
0x26: {  	[smem:$0x3F9B] =	sst s1;
	(tag) =	ssettag s2;
	_ =	strace s9  }
0x27: {  	s1 =	sld [smem:$0x3FAB]  }
0x28: {  	s2 =	sld [smem:$0x3FAC]  }
0x29: {  	s4 =	sld [smem:$0x3FAE]  }
0x2a: {  	p0 =	seq.s32 s5, $0x0;
	s5 =	sld [smem:$0x3FAF]  }
0x2b: {  	s6 =	sld [smem:$0x3FB0]  }
0x2c: {  	s7 =	sld [smem:$0x3FB1]  }
0x2d: {  	s3 =	simm.s32 $0x108;
	s8 =	sld [smem:$0x3FB2]  }
0x2e: {  	s3 =	simm.s32 @!p0 $0x1082;
	s9 =	sld [smem:$0x3FB3]  }
0x2f: {  	lr =	sadd.s32 s0, s3;
	s0 =	sld [smem:$0x3FAA]  }
0x30: {  	s3 =	sld [smem:$0x3FAD]  }
0x31: {  	[smem:$0x3FB6] =	sst s10  }
0x32: {  	s10 =	sld [smem:$0x3FB4];
	_ =	sdelay $0x3  }
0x33: {  	p0 =	seq.s32 s10, $0x1;
	s10 =	sld [smem:$0x3FB6];
	_ =	sdelay $0x3  }
0x34: {  	[smem:$0x3FB6] =	sst s10  }
0x35: {  	s10 =	sld [smem:$0x3FB5];
	_ =	sdelay $0x3  }
0x36: {  	p1 =	seq.s32 s10, $0x1;
	s10 =	sld [smem:$0x3FB6];
	_ =	sdelay $0x3  }
0x37: {  	[smem:$0x3FB6] =	sst s10  }
0x38: {  	s10 =	sld [smem:$0x3FB7]  }
0x39: {  	_ = 	snop;
	(pc) =	sbr.ind lr, $3  }
0x3a: {  	_ = 	snop  }
0x3b: {  	_ = 	snop  }
0x3c: {  	p2 =	seq.s32 s10, $0x1;
	s10 =	sld [smem:$0x3FB6]  }
0x3d: {  	_ =	shalt  }
0x3e: {  	_ =	shalt  }
0x3f: {  	_ =	shalt  }
0x40: {  	_ =	shalt  }
0x41: {  	_ =	shalt  }
0x42: {  	_ =	shalt  }
0x43: {  	_ =	shalt  }
0x44: {  	_ =	shalt  }
0x45: {  	_ =	shalt  }
0x46: {  	_ =	shalt  }
0x47: {  	_ =	shalt  }
0x48: {  	_ =	shalt  }
0x49: {  	_ =	shalt  }
0x4a: {  	_ =	shalt  }
0x4b: {  	_ =	shalt  }
0x4c: {  	_ =	shalt  }
0x4d: {  	_ =	shalt  }
0x4e: {  	_ =	shalt  }
0x4f: {  	_ =	shalt  }
0x50: {  	_ =	shalt  }
0x51: {  	_ =	shalt  }
0x52: {  	_ =	shalt  }
0x53: {  	_ =	shalt  }
0x54: {  	_ =	shalt  }
0x55: {  	_ =	shalt  }
0x56: {  	_ =	shalt  }
0x57: {  	_ =	shalt  }
0x58: {  	_ =	shalt  }
0x59: {  	_ =	shalt  }
0x5a: {  	_ =	shalt  }
0x5b: {  	_ =	shalt  }
0x5c: {  	_ =	shalt  }
0x5d: {  	_ =	shalt  }
0x5e: {  	_ =	shalt  }
0x5f: {  	_ =	shalt  }
0x60: {  	_ =	shalt  }
0x61: {  	_ =	shalt  }
0x62: {  	_ =	shalt  }
0x63: {  	_ =	shalt  }
0x64: {  	_ =	shalt  }
0x65: {  	_ =	shalt  }
0x66: {  	_ =	shalt  }
0x67: {  	_ =	shalt  }
0x68: {  	_ =	shalt  }
0x69: {  	_ =	shalt  }
0x6a: {  	_ =	shalt  }
0x6b: {  	_ =	shalt  }
0x6c: {  	_ =	shalt  }
0x6d: {  	_ =	shalt  }
0x6e: {  	_ =	shalt  }
0x6f: {  	_ =	shalt  }
0x70: {  	_ =	shalt  }
0x71: {  	_ =	shalt  }
0x72: {  	_ =	shalt  }
0x73: {  	_ =	shalt  }
0x74: {  	_ =	shalt  }
0x75: {  	_ =	shalt  }
0x76: {  	_ =	shalt  }
0x77: {  	_ =	shalt  }
0x78: {  	_ =	shalt  }
0x79: {  	_ =	shalt  }
0x7a: {  	_ =	shalt  }
0x7b: {  	_ =	shalt  }
0x7c: {  	_ =	shalt  }
0x7d: {  	_ =	shalt  }
0x7e: {  	_ =	shalt  }
0x7f: {  	_ =	shalt  }
0x80: {  	_ =	shalt  }
0x81: {  	_ =	shalt  }
0x82: {  	_ =	shalt  }
0x83: {  	_ =	shalt  }
0x84: {  	_ =	shalt  }
0x85: {  	_ =	shalt  }
0x86: {  	_ =	shalt  }
0x87: {  	_ =	shalt  }
.Lfunc_end0:
.L_simem_size_0:
called_computation.3_lowered:
.L_overlay_start_0:
0x88: {  	s2 =	sld [smem:$0x3FD9]  }
0x89: {  	s3 =	sld [smem:$0x3FFE];
	_ =	sdelay $0x1  }
0x8a: {  	s1 =	srdreg.scid  }
0x8b: {  	s0 =	sand.u32 $0x1, s1  }
0x8c: {  	s17 =	sshll.u32 s0, $0xA;
	s2 =	sadd.s32 s3, s2  }
0x8d: {  	s2 =	sadd.s32 s2, s17  }
0x8e: {  	[smem:$0x3FC2] =	sst s2  }
0x8f: {  	_ = 	snop  }
0x90: {  	s18 =	sld [smem:$0x3FC4];
	(tm) =	ssettm $0x1  }
0x91: {  	s19 =	sld [smem:$0x3FFB];
	_ =	sdelay $0x3  }
0x92: {  	_ =	strace s19  }
0x93: {  	s2 =	sld [smem:$0x3FFC];
	_ =	sdelay $0x3  }
0x94: {  	_ =	strace s2  }
0x95: {  	s2 =	sld [smem:$0x3FFD];
	_ =	sdelay $0x3  }
0x96: {  	_ =	strace s2  }
0x97: {  	_ =	strace $0x8FFFFFFF  }
0x98: {  	s20 =	sld [smem:$0x3FDB];
	_ =	sdelay $0x1  }
0x99: {  	s4 =	simm.s32 $_scs_section_size  }
0x9a: {  	s5 =	simm.s32 $_size__tile_overlayer_lowered;
	s6 =	simm.s32 $_tile_overlayer_lowered  }
0x9b: {  	s7 =	simm.s32 $0x1BFF;
	s21 =	sshll.u32 s6, $0x1;
	s4 =	sadd.s32 s4, s20  }
0x9c: {  	s22 =	simm.s32 $0x0;
	s5 =	sshll.u32 s5, $0x1;
	s6 =	sadd.s32 s21, s4  }
0x9d: {  	[timem:s22], [sflag:s7] =	dma.local [hbm:s6], s5  }
0x9e: {  	_ =	swait.ge [sflag:s7], s5  }
0x9f: {  	s5 =	ssub.s32 $0x0, s5;
	[sflag:s7] =	ssyncset.done $0x0  }
0xa0: {  	[sflag:s7] =	ssyncadd.s32 s5;
	_ =	sdelay $0x1  }
0xa1: {  	s23 =	simm.s32 $0x1B8B  }
0xa2: {  	_ =	swait.ge [sflag:s23], $0x1  }
0xa3: {  	[sflag:s23] =	ssyncset.done $0x0  }
0xa4: {  	[sflag:s23] =	ssyncadd.s32 $0xFFFFFFFF  }
0xa5: {  	s5 =	sld [smem:$0x0]  }
0xa6: {  	s6 =	sand.u32 $0xFFFFFFFE, s1  }
0xa7: {  	p0 =	sne.s32 s1, s6  }
0xa8: {  	s6 =	sshll.u32 @p0 s6, $0xE  }
0xa9: {  	s6 =	sadd.s32 @p0 $0x11B8D, s6;
	s7 =	sshll.u32 @p0 s5, $0x11  }
0xaa: {  	s6 =	sor.u32 @p0 s7, s6  }
0xab: {  	[sflag:s6] =	ssyncadd.remote.s32 @p0 $0x1;
	_ =	sdelay $0x1  }
0xac: {  	s6 =	simm.s32 @p0 $0x1B8D  }
0xad: {  	_ =	swait.eq @p0 [sflag:s6], $0x1  }
0xae: {  	[sflag:s6] =	ssyncadd.s32 @p0 $0xFFFFFFFF  }
0xaf: {  	s7 =	sshll.u32 @!p0 s1, $0xE  }
0xb0: {  	s7 =	sor.u32 @!p0 $0x4000, s7;
	s6 =	simm.s32 @!p0 $0x1B8D  }
0xb1: {  	s5 =	sshll.u32 @!p0 s5, $0x11;
	s7 =	sadd.s32 @!p0 $0x11B8D, s7;
	_ =	swait.eq @!p0 [sflag:s6], $0x1  }
0xb2: {  	s5 =	sor.u32 @!p0 s5, s7;
	[sflag:s6] =	ssyncadd.s32 @!p0 $0xFFFFFFFF  }
0xb3: {  	s25 =	simm.s32 $0x1B8E;
	s24 =	sld [smem:$0x3FFE];
	[sflag:s5] =	ssyncadd.remote.s32 @!p0 $0x1  }
0xb4: {  	s26 =	simm.s32 $execute0_lowered;
	[smem:$0x3FD2] =	sst s25  }
0xb5: {  	s6 =	sshll.u32 s26, $0x1;
	_ =	strace $0x80000049;
	[dreg:$0x1] =	wrdreg $0xFFFFFFFF  }
0xb6: {  	s28 =	simm.s32 $_size_execute0_lowered;
	s4 =	sadd.s32 s4, s6;
	[dreg:$0x0] =	wrdreg $0x0  }
0xb7: {  	s6 =	sshll.u32 s28, $0x1;
	[dreg:$0x2] =	wrdreg s4  }
0xb8: {  	[dreg:$0x3] =	wrdreg s6  }
0xb9: {  	[dreg:$0x4] =	wrdreg $0xC0  }
0xba: {  	_ =	task [dreg:s22], $0x5FFFF  }
0xbb: {  	[dreg:$0x1] =	wrdreg $0xFFFFFFFF  }
0xbc: {  	[dreg:$0x0] =	wrdreg $0x60  }
0xbd: {  	[dreg:$0x2] =	wrdreg s18  }
0xbe: {  	[dreg:$0x3] =	wrdreg s24  }
0xbf: {  	[dreg:$0x4] =	wrdreg $0xA  }
0xc0: {  	_ =	task.clear_ibuf [dreg:s22], $0x5FFFF;
	_ =	strace $0x90000049  }
0xc1: {  	s29 =	simm.s32 $0xA;
	_ =	strace $0x8000004B  }
0xc2: {  	_ =	swait.ge [sflag:s29], $0x1  }
0xc3: {  	[sflag:s29] =	ssyncadd.s32 $0xFFFFFFFF  }
0xc4: {  	_ =	strace $0x9000004B  }
0xc5: {  	_ =	sfence  }
0xc6: {  	s30 =	sld [smem:$0x0];
	_ =	sdelay $0x2  }
0xc7: {  	s31 =	sshll.u32 s1, $0xD;
	s1 =	sshrl.u32 s1, $0x2  }
0xc8: {  	s4 =	sand.u32 $0x4000, s31;
	s1 =	sadd.s32 s1, s30  }
0xc9: {  	s0 =	sor.u32 s4, s0;
	s1 =	sshll.u32 s1, $0x11  }
0xca: {  	s0 =	sor.u32 s1, s0  }
0xcb: {  	s0 =	sadd.s32 $0x8F2B, s0  }
0xcc: {  	[sflag:s0] =	ssyncadd.remote.s32 $0x1  }
0xcd: {  	_ =	sfence.sel $0xFFFF  }
0xce: {  	[dreg:$0x0] =	wrdreg $0xFFFFFFFF;
	(pc) =	sbr.abs _section_cstart, $3  }
0xcf: {  	[dreg:$0x1] =	wrdreg $0xFFFFFFFF  }
0xd0: {  	_ =	task.clear_ibuf [dreg:s22], $0x2FFFF;
	_ =	strace $0x9FFFFFFF  }
0xd1: {  	(tm) =	ssettm $0x7FFFFFFF  }
tec
execute0_lowered:
.L_overlay_start_1:
0x0: {  	(tag) =	ssettag $0x1  }
0x1: {  	s1 =	srdreg.scid;
	s2 =	rddreg [dreg:$0x0]  }
0x2: {  	s0 =	stileid.u32;
	s5 =	rddreg [dreg:$0x1];
	s6 =	simm.s32 $0x1  }
0x3: {  	s9 =	simm.s32 $0x1;
	s10 =	simm.s32 $0x3;
	s1 =	sshll.u32 s1, $0x6  }
0x4: {  	s13 =	simm.s32 $0x0;
	s3 =	sshll.u32 s0, $0x7;
	s4 =	sand.u32 $0x40, s1  }
0x5: {  	s12 =	simm.s32 $0x0;
	s1 =	rddreg [dreg:$0x2];
	s3 =	sor.u32 s3, s4  }
0x6: {  	_ =	strace $0x8000004A;
	s4 =	sadd.s32 $0x1E00, s5;
	s8 =	ssub.s32 $0x1000, s3  }
.Ltmp0:
0x7: {  	s5 =	sadd.s32 $0x2400, s5;
	s7 =	sand.u32 $0x7C0, s8;
	(pc) =	sbr.rel .LBB2_1-.Ltmp0, $4  }
0x8: {  	[sflag:s6] =	ssyncpa.u1 $0x0;
	s11 =	smov.u32 s3;
	p0 =	sne.s32 s7, $0x0  }
0x9: {  	s8 =	sshrl.u32 s8, $0xB;
	s7 =	simm.s32 $0x2;
	s9 =	simm.s32 @!p0 $0x0  }
0xa: {  	[sflag:s7] =	ssyncpa.u1 $0x0;
	p0 =	por $0x0, $0x0;
	s8 =	sadd.s32 s9, s8  }
0xb: {  	vm0 =	vmmov $0xffff;
	v0 =	vimm.s32 $0x0;
	[sflag:s10] =	ssyncpa.u1 $0x0;
	s10 =	simm.s32 $0x0;
	s9 =	sadd.s32 $0x1, s8  }
.LBB2_4:
0xc: {  	vm1 =	veq.s32 v2, $0x80000000;
	v2 =	vand.u32 $0xFFFFF, v2  }
0xd: {  	v4 =	vadd.s32 v5, v4;
	v2 =	vsel vm1, $0xFFFFFFFF, v2  }
0xe: {  	v3 =	vor.u32 v3, v4;
	v63 =	vsel vm1, $0xFFF0BD80, v0;
	v62 =	vand.u32 $0xFFFFFF80, v2  }
0xf: {  	v2 =	vand.u32 $0x7F, v2;
	v4 =	vadd.s32 v63, v62  }
0x10: {  	v2 =	vor.u32 v2, v4  }
0x11: {  	[tilespmem:s15], [sflag:$0x1] =	stream.indirect_vreg.gather [hbm4b:s2+s10], $0x1, v1, vm0, $0x4038;
	[tilespmem:$0x100] =	vst v63  }
0x12: {  	(ifvalue) =	ssetifvalue $0x7FFFFFFF  }
0x13: {  	[tilespmem:s16], [sflag:$0x1] =	stream.indirect_vreg.gather [hbm4b:s2+s10], $0x1, v3, vm0, $0x4038;
	[tilespmem:$0x100] =	vst v63  }
0x14: {  	s29 =	sadd.s32 $0x10, s16;
	(ifvalue) =	ssetifvalue $0x7FFFFFFF  }
0x15: {  	[tilespmem:s29], [sflag:$0x1] =	stream.indirect_vreg.gather [hbm4b:s2+s10], $0x1, v2, vm0, $0x4038;
	[tilespmem:$0x100] =	vst v63  }
0x16: {  	_ =	swait.ge [sflag:s6], $0x40  }
0x17: {  	s30 =	sshrl.u32 s13, $0x3;
	[sflag:s6] =	ssyncset.done $0x0  }
0x18: {  	s31 =	sand.u32 $0x7, s13;
	s15 =	sadd.s32 s5, s30;
	[sflag:s6] =	ssyncadd.s32 $0xFFFFFFC0  }
0x19: {  	[hbm4b:s15+s31] =	stream.linear.scatter [tilespmem:s14], [sflag:$0x3], $0x40, $0x38;
	[tilespmem:$0x100] =	vst v63  }
.LBB2_5:
0x1a: {  	s15 =	sadd.s32 $0x800, s11  }
0x1b: {  	p2 =	sgt.s32 s15, $0xFFF  }
0x1c: {  	s15 =	smov.u32 @p2 s3;
	p2 =	sne.s32 s12, s9  }
.Ltmp1:
0x1d: {  	p1 =	slt.u32 s12, $0x2;
	(pc) =	sbr.rel @!p2 .LBB2_6-.Ltmp1, $4  }
0x1e: {  	s14 =	simm.s32 @!p1 $0x3  }
0x1f: {  	s16 =	sadd.s32 $0x1, s12;
	_ =	swait.ge @!p1 [sflag:s14], $0x40  }
0x20: {  	s13 =	smov.u32 s11;
	p0 =	por !p0, !p0;
	[sflag:s14] =	ssyncset.done @!p1 $0x0  }
0x21: {  	s12 =	smov.u32 s16;
	s11 =	smov.u32 s15;
	[sflag:s14] =	ssyncadd.s32 @!p1 $0xFFFFFFC0  }
.LBB2_1:
0x22: {  	p1 =	sge.u32 s12, s8  }
0x23: {  	s14 =	sxor.u32 @!p1 $0xFFFFFFFF, s12  }
0x24: {  	s31 =	sadd.s32 $0xFFFFFFFF, s12;
	s15 =	sshrl.u32 @!p1 s11, $0x3;
	s14 =	sshll.u32 @!p1 s14, $0x6  }
0x25: {  	s16 =	sand.u32 @!p1 $0x7, s11;
	s15 =	sadd.s32 @!p1 s4, s15;
	s14 =	sand.u32 @!p1 $0x40, s14  }
0x26: {  	[tilespmem:s14], [sflag:$0x2] =	stream.linear.gather @!p1 [hbm4b:s15+s16], $0x40, $0x38;
	[tilespmem:$0x100] =	vst v63  }
0x27: {  	p1 =	sge.u32 s31, s8  }
.Ltmp2:
0x28: {  	_ = 	snop;
	(pc) =	sbr.rel @p1 .LBB2_5-.Ltmp2, $1  }
0x29: {  	_ =	sdelay $0x3  }
0x2a: {  	s14 =	simm.s32 $0x1  }
0x2b: {  	_ =	swait.ge [sflag:s7], $0x40;
	s14 =	simm.s32 @!p0 $0x0  }
0x2c: {  	[sflag:s7] =	ssyncset.done $0x0;
	s14 =	sshll.u32 s14, $0x6  }
0x2d: {  	[sflag:s7] =	ssyncadd.s32 $0xFFFFFFC0;
	(ifvalue) =	ssetifvalue $0x7FFFFFFF;
	v1 =	vld.msk [tilespmem:s14+$0x0 ss:$0x1], $0xffff;
	_ =	sdelay $0x4  }
0x2e: {  	s15 =	sadd.s32 $0x10, s14;
	vm1 =	veq.s32 v1, $0x80000000;
	v1 =	vand.u32 $0xFFFFF, v1  }
0x2f: {  	v2 =	vld.msk [tilespmem:s15+$0x0 ss:$0x1], $0xffff;
	v1 =	vsel vm1, $0xFFFFFFFF, v1  }
0x30: {  	v4 =	vsel vm1, $0xFFF0BD80, v0;
	v3 =	vand.u32 $0xFFFFFF80, v1  }
0x31: {  	v1 =	vand.u32 $0x7F, v1;
	v3 =	vadd.s32 v4, v3  }
0x32: {  	v1 =	vor.u32 v1, v3;
	_ =	sdelay $0x1  }
0x33: {  	s16 =	sshll.u32 s12, $0x6;
	s18 =	simm.s32 $0x20;
	vm1 =	veq.s32 v2, $0x80000000;
	v4 =	vand.u32 $0xFFFFF, v2  }
0x34: {  	s16 =	sand.u32 $0x40, s16;
	s17 =	sadd.s32 $0x10, s15;
	s15 =	sor.u32 $0x80, s14;
	v3 =	vsel vm1, $0xFFFFFFFF, v4  }
0x35: {  	s14 =	sor.u32 $0x80, s16;
	s16 =	sadd.s32 $0x10, s15;
	v5 =	vsel vm1, $0xFFF0BD80, v0;
	v2 =	vld.msk [tilespmem:s17+$0x0 ss:$0x1], $0xffff;
	(ifvalue) =	ssetifvalue $0x7FFFFFFF;
	v4 =	vand.u32 $0xFFFFFF80, v3;
	v3 =	vand.u32 $0x7F, v3  }
.LBB2_3:
0x36: {  	[tilespmem:s15], [sflag:$0x1] =	stream.indirect_vreg.gather [hbm4b:s2+s10], $0x1, v1, vm0, $0x4038;
	[tilespmem:$0x100] =	vst v63  }
0x37: {  	s18 =	sadd.s32 $0x10, s18  }
0x38: {  	v4 =	vadd.s32 v5, v4;
	p1 =	slt.u32 s18, $0x30  }
.Ltmp3:
0x39: {  	s15 =	smov.u32 s16;
	v1 =	vor.u32 v3, v4;
	(pc) =	sbr.rel @p1 .LBB2_3-.Ltmp3, $4  }
0x3a: {  	s17 =	sadd.s32 $0x10, s17  }
0x3b: {  	vm1 =	veq.s32 v2, $0x80000000;
	v3 =	vand.u32 $0xFFFFF, v2;
	v2 =	vld.msk [tilespmem:s17+$0x0 ss:$0x1], $0xffff  }
0x3c: {  	v3 =	vsel vm1, $0xFFFFFFFF, v3  }
0x3d: {  	s16 =	sadd.s32 $0x10, s16;
	v5 =	vsel vm1, $0xFFF0BD80, v0;
	v4 =	vand.u32 $0xFFFFFF80, v3;
	v3 =	vand.u32 $0x7F, v3;
	(ifvalue) =	ssetifvalue $0x7FFFFFFF  }
.Ltmp4:
0x3e: {  	_ = 	snop;
	(pc) =	sbr.rel .LBB2_4-.Ltmp4, $1  }
0x3f: {  	_ =	sdelay $0x3  }
.LBB2_6:
0x40: {  	_ =	sfence.sel $0x180000  }
0x41: {  	s2 =	simm.s32 $0x2;
	[bflag:$0x0] =	sbarrier.arrive $0xFFFF  }
0x42: {  	s30 =	simm.s32 $0x3;
	[sflag:s2] =	ssyncpa.u1 $0x1  }
0x43: {  	s31 =	simm.s32 $0x1;
	[sflag:s30] =	ssyncpa.u1 $0x1  }
0x44: {  	[sflag:s31] =	ssyncpa.u1 $0x1  }
0x45: {  	p0 =	sne.s32 s0, $0x0;
	_ =	strace $0x9000004A  }
0x46: {  	s0 =	sadd.s32 @!p0 $0x100000, s1;
	[bflag:$0x2] =	sbarrier.arrive $0xFFFF  }
0x47: {  	[sflag:s0] =	ssyncadd.tile.s32 @!p0 $0x1;
	_ =	shalt  }
.Lfunc_end2:
_tile_overlayer_lowered:
.L_overlay_start_2:
0x48: {  	(tag) =	ssettag $0x2  }
0x49: {  	s0 =	rddreg [dreg:$0x0];
	s2 =	stileid.u32  }
0x4a: {  	s1 =	rddreg [dreg:$0x1];
	p0 =	sne.s32 s2, $0x0  }
0x4b: {  	s3 =	rddreg [dreg:$0x2];
	[bflag:$0x3] =	sbarrier.arrive $0xFFFF;
	s2 =	simm.s32 @!p0 $0x1C01  }
0x4c: {  	[timem:s3], [sflag:s2] =	dma.local @!p0 [hbm:s0], s1  }
0x4d: {  	s0 =	simm.s32 @!p0 $0x1  }
0x4e: {  	_ =	swait.ge @!p0 [sflag:s0], s1  }
0x4f: {  	s1 =	ssub.s32 @!p0 $0x0, s1;
	[sflag:s0] =	ssyncset.done @!p0 $0x0  }
0x50: {  	[sflag:s0] =	ssyncadd.s32 @!p0 s1  }
0x51: {  	[bflag:$0x3] =	sbarrier.arrive $0xFFFF  }
0x52: {  	_ =	shalt  }

// kernel: gather_offload_async_start
scs
__scs_entry_jumppad:
0x0: {  	(pc) =	sbr.rel $0x88, $3  }
0x1: {  	(tag) =	ssettag $0x0;
	lr =	simm.s32 $0x1  }
0x2: {  	[smem:$0x3F9B] =	sst lr;
	_ =	strace $0xD0000000  }
0x3: {  	_ = 	snop  }
0x4: {  	_ = 	snop  }
0x5: {  	_ = 	snop  }
0x6: {  	_ = 	snop  }
0x7: {  	_ = 	snop  }
__scs_overlays_trampoline_lowered:
0x8: {  	[smem:$0x3FAA] =	sst s0  }
0x9: {  	[smem:$0x3FAB] =	sst s1  }
0xa: {  	[smem:$0x3FAC] =	sst s2  }
0xb: {  	[smem:$0x3FAD] =	sst s3  }
0xc: {  	[smem:$0x3FAE] =	sst s4  }
0xd: {  	[smem:$0x3FAF] =	sst s5  }
0xe: {  	[smem:$0x3FB0] =	sst s6  }
0xf: {  	[smem:$0x3FB1] =	sst s7  }
0x10: {  	[smem:$0x3FB2] =	sst s8  }
0x11: {  	[smem:$0x3FB3] =	sst s9;
	s0 =	simm.s32 @!p0 $0x0  }
0x12: {  	s1 =	sld [smem:$0x3F99];
	s0 =	simm.s32 @p0 $0x1  }
0x13: {  	[smem:$0x3FB4] =	sst s0;
	s0 =	simm.s32 @!p1 $0x0  }
0x14: {  	s2 =	sld [smem:$0x3F98];
	s0 =	simm.s32 @p1 $0x1  }
0x15: {  	[smem:$0x3FB5] =	sst s0;
	s0 =	simm.s32 @!p2 $0x0  }
0x16: {  	s3 =	sld [smem:$0x3FDB];
	s0 =	simm.s32 @p2 $0x1  }
0x17: {  	s4 =	simm.s32 $0x1BF5;
	[smem:$0x3FB7] =	sst s0  }
0x18: {  	s0 =	sld [smem:$0x3F9A];
	_ =	swait.ge [sflag:s4], $0x0  }
0x19: {  	s7 =	sld [smem:$0x3F9B]  }
0x1a: {  	s8 =	sadd.s32 $0xFFFFE003, lr  }
0x1b: {  	s9 =	sadd.s32 $0xFFFFFEF7, lr;
	s5 =	simm.s32 $0xFFFFFFFF;
	p2 =	slt.u32 s8, $0xFFFFF086  }
0x1c: {  	p1 =	slt.u32 s9, $0xF7A;
	s5 =	simm.s32 @!p2 $0x0  }
0x1d: {  	s5 =	simm.s32 @p1 $0x1;
	p0 =	seq.s32 s7, s2  }
0x1e: {  	s7 =	smul.u32 @!p0 $0xF7A, s2;
	p2 =	seq.s32 @!p0 s5, $0x0  }
0x1f: {  	s9 =	smul.u32 $0xF7A, s1;
	s8 =	simm.s32 @!p0 $0x1BF5;
	p2 =	por !p2, p0  }
0x20: {  	[sflag:s8] =	ssyncset.s32 @!p0 $0xFFFFF086;
	s6 =	sadd.s32 @!p0 s3, s7;
	s7 =	simm.s32 @!p0 $0x108  }
0x21: {  	s3 =	sadd.s32 s3, s9;
	s6 =	sadd.s32 @!p0 $0x88, s6;
	s7 =	simm.s32 @p2 $0x1082  }
0x22: {  	[simem:s7], [sflag:s8] =	dma.local @!p0 [hbm:s6], $0xF7A  }
0x23: {  	s9 =	sor.u32 $0xD0000000, s2;
	s6 =	simm.s32 $0x108;
	_ =	swait.ge @!p0 [sflag:s8], $0x0  }
0x24: {  	s3 =	sadd.s32 $0x88, s3;
	s6 =	simm.s32 @!p1 $0x1082;
	[sflag:s4] =	ssyncset.s32 $0xFFFFF086  }
0x25: {  	[simem:s6], [sflag:s4] =	dma.local [hbm:s3], $0xF7A  }
0x26: {  	[smem:$0x3F9B] =	sst s1;
	(tag) =	ssettag s2;
	_ =	strace s9  }
0x27: {  	s1 =	sld [smem:$0x3FAB]  }
0x28: {  	s2 =	sld [smem:$0x3FAC]  }
0x29: {  	s4 =	sld [smem:$0x3FAE]  }
0x2a: {  	p0 =	seq.s32 s5, $0x0;
	s5 =	sld [smem:$0x3FAF]  }
0x2b: {  	s6 =	sld [smem:$0x3FB0]  }
0x2c: {  	s7 =	sld [smem:$0x3FB1]  }
0x2d: {  	s3 =	simm.s32 $0x108;
	s8 =	sld [smem:$0x3FB2]  }
0x2e: {  	s3 =	simm.s32 @!p0 $0x1082;
	s9 =	sld [smem:$0x3FB3]  }
0x2f: {  	lr =	sadd.s32 s0, s3;
	s0 =	sld [smem:$0x3FAA]  }
0x30: {  	s3 =	sld [smem:$0x3FAD]  }
0x31: {  	[smem:$0x3FB6] =	sst s10  }
0x32: {  	s10 =	sld [smem:$0x3FB4];
	_ =	sdelay $0x3  }
0x33: {  	p0 =	seq.s32 s10, $0x1;
	s10 =	sld [smem:$0x3FB6];
	_ =	sdelay $0x3  }
0x34: {  	[smem:$0x3FB6] =	sst s10  }
0x35: {  	s10 =	sld [smem:$0x3FB5];
	_ =	sdelay $0x3  }
0x36: {  	p1 =	seq.s32 s10, $0x1;
	s10 =	sld [smem:$0x3FB6];
	_ =	sdelay $0x3  }
0x37: {  	[smem:$0x3FB6] =	sst s10  }
0x38: {  	s10 =	sld [smem:$0x3FB7]  }
0x39: {  	_ = 	snop;
	(pc) =	sbr.ind lr, $3  }
0x3a: {  	_ = 	snop  }
0x3b: {  	_ = 	snop  }
0x3c: {  	p2 =	seq.s32 s10, $0x1;
	s10 =	sld [smem:$0x3FB6]  }
0x3d: {  	_ =	shalt  }
0x3e: {  	_ =	shalt  }
0x3f: {  	_ =	shalt  }
0x40: {  	_ =	shalt  }
0x41: {  	_ =	shalt  }
0x42: {  	_ =	shalt  }
0x43: {  	_ =	shalt  }
0x44: {  	_ =	shalt  }
0x45: {  	_ =	shalt  }
0x46: {  	_ =	shalt  }
0x47: {  	_ =	shalt  }
0x48: {  	_ =	shalt  }
0x49: {  	_ =	shalt  }
0x4a: {  	_ =	shalt  }
0x4b: {  	_ =	shalt  }
0x4c: {  	_ =	shalt  }
0x4d: {  	_ =	shalt  }
0x4e: {  	_ =	shalt  }
0x4f: {  	_ =	shalt  }
0x50: {  	_ =	shalt  }
0x51: {  	_ =	shalt  }
0x52: {  	_ =	shalt  }
0x53: {  	_ =	shalt  }
0x54: {  	_ =	shalt  }
0x55: {  	_ =	shalt  }
0x56: {  	_ =	shalt  }
0x57: {  	_ =	shalt  }
0x58: {  	_ =	shalt  }
0x59: {  	_ =	shalt  }
0x5a: {  	_ =	shalt  }
0x5b: {  	_ =	shalt  }
0x5c: {  	_ =	shalt  }
0x5d: {  	_ =	shalt  }
0x5e: {  	_ =	shalt  }
0x5f: {  	_ =	shalt  }
0x60: {  	_ =	shalt  }
0x61: {  	_ =	shalt  }
0x62: {  	_ =	shalt  }
0x63: {  	_ =	shalt  }
0x64: {  	_ =	shalt  }
0x65: {  	_ =	shalt  }
0x66: {  	_ =	shalt  }
0x67: {  	_ =	shalt  }
0x68: {  	_ =	shalt  }
0x69: {  	_ =	shalt  }
0x6a: {  	_ =	shalt  }
0x6b: {  	_ =	shalt  }
0x6c: {  	_ =	shalt  }
0x6d: {  	_ =	shalt  }
0x6e: {  	_ =	shalt  }
0x6f: {  	_ =	shalt  }
0x70: {  	_ =	shalt  }
0x71: {  	_ =	shalt  }
0x72: {  	_ =	shalt  }
0x73: {  	_ =	shalt  }
0x74: {  	_ =	shalt  }
0x75: {  	_ =	shalt  }
0x76: {  	_ =	shalt  }
0x77: {  	_ =	shalt  }
0x78: {  	_ =	shalt  }
0x79: {  	_ =	shalt  }
0x7a: {  	_ =	shalt  }
0x7b: {  	_ =	shalt  }
0x7c: {  	_ =	shalt  }
0x7d: {  	_ =	shalt  }
0x7e: {  	_ =	shalt  }
0x7f: {  	_ =	shalt  }
0x80: {  	_ =	shalt  }
0x81: {  	_ =	shalt  }
0x82: {  	_ =	shalt  }
0x83: {  	_ =	shalt  }
0x84: {  	_ =	shalt  }
0x85: {  	_ =	shalt  }
0x86: {  	_ =	shalt  }
0x87: {  	_ =	shalt  }
.Lfunc_end0:
.L_simem_size_0:
called_computation_lowered:
.L_overlay_start_0:
0x88: {  	s2 =	sld [smem:$0x3FD9]  }
0x89: {  	s3 =	sld [smem:$0x3FFE];
	_ =	sdelay $0x1  }
0x8a: {  	s1 =	srdreg.scid  }
0x8b: {  	s0 =	sand.u32 $0x1, s1  }
0x8c: {  	s17 =	sshll.u32 s0, $0xA;
	s2 =	sadd.s32 s3, s2  }
0x8d: {  	s2 =	sadd.s32 s2, s17  }
0x8e: {  	[smem:$0x3FC2] =	sst s2  }
0x8f: {  	_ = 	snop  }
0x90: {  	s4 =	sld [smem:$0x3FC7]  }
0x91: {  	s18 =	sld [smem:$0x3FD0];
	(tm) =	ssettm $0x1  }
0x92: {  	s19 =	sld [smem:$0x3FFB];
	_ =	sdelay $0x3  }
0x93: {  	_ =	strace s19  }
0x94: {  	s2 =	sld [smem:$0x3FFC];
	_ =	sdelay $0x3  }
0x95: {  	_ =	strace s2  }
0x96: {  	s2 =	sld [smem:$0x3FFD];
	_ =	sdelay $0x3  }
0x97: {  	_ =	strace s2  }
0x98: {  	_ =	strace $0x8FFFFFFF  }
0x99: {  	s20 =	sld [smem:$0x3FDB];
	_ =	sdelay $0x1  }
0x9a: {  	s5 =	simm.s32 $_scs_section_size  }
0x9b: {  	s6 =	simm.s32 $_size__tile_overlayer_lowered;
	s7 =	simm.s32 $_tile_overlayer_lowered  }
0x9c: {  	s8 =	simm.s32 $0x1BFF;
	s21 =	sshll.u32 s7, $0x1;
	s5 =	sadd.s32 s5, s20  }
0x9d: {  	s22 =	simm.s32 $0x0;
	s6 =	sshll.u32 s6, $0x1;
	s7 =	sadd.s32 s21, s5  }
0x9e: {  	[timem:s22], [sflag:s8] =	dma.local [hbm:s7], s6  }
0x9f: {  	_ =	swait.ge [sflag:s8], s6  }
0xa0: {  	s6 =	ssub.s32 $0x0, s6;
	[sflag:s8] =	ssyncset.done $0x0  }
0xa1: {  	[sflag:s8] =	ssyncadd.s32 s6;
	_ =	sdelay $0x1  }
0xa2: {  	s23 =	simm.s32 $0x1B8B  }
0xa3: {  	_ =	swait.ge [sflag:s23], $0x1  }
0xa4: {  	[sflag:s23] =	ssyncset.done $0x0  }
0xa5: {  	[sflag:s23] =	ssyncadd.s32 $0xFFFFFFFF  }
0xa6: {  	s6 =	sld [smem:$0x0]  }
0xa7: {  	s7 =	sand.u32 $0xFFFFFFFE, s1  }
0xa8: {  	p0 =	sne.s32 s1, s7  }
0xa9: {  	s7 =	sshll.u32 @p0 s7, $0xE  }
0xaa: {  	s7 =	sadd.s32 @p0 $0x11B8D, s7;
	s8 =	sshll.u32 @p0 s6, $0x11  }
0xab: {  	s7 =	sor.u32 @p0 s8, s7  }
0xac: {  	[sflag:s7] =	ssyncadd.remote.s32 @p0 $0x1;
	_ =	sdelay $0x1  }
0xad: {  	s7 =	simm.s32 @p0 $0x1B8D  }
0xae: {  	_ =	swait.eq @p0 [sflag:s7], $0x1  }
0xaf: {  	[sflag:s7] =	ssyncadd.s32 @p0 $0xFFFFFFFF  }
0xb0: {  	s8 =	sshll.u32 @!p0 s1, $0xE  }
0xb1: {  	s8 =	sor.u32 @!p0 $0x4000, s8;
	s7 =	simm.s32 @!p0 $0x1B8D  }
0xb2: {  	s6 =	sshll.u32 @!p0 s6, $0x11;
	s8 =	sadd.s32 @!p0 $0x11B8D, s8;
	_ =	swait.eq @!p0 [sflag:s7], $0x1  }
0xb3: {  	s6 =	sor.u32 @!p0 s6, s8;
	[sflag:s7] =	ssyncadd.s32 @!p0 $0xFFFFFFFF  }
0xb4: {  	s25 =	simm.s32 $0x1B8E;
	s24 =	sld [smem:$0x3FFE];
	[sflag:s6] =	ssyncadd.remote.s32 @!p0 $0x1  }
0xb5: {  	s26 =	simm.s32 $execute0_lowered;
	[smem:$0x3FD2] =	sst s25  }
0xb6: {  	s7 =	sshll.u32 s26, $0x1;
	_ =	strace $0x80000052;
	[dreg:$0x1] =	wrdreg $0xFFFFFFFF  }
0xb7: {  	s28 =	simm.s32 $_size_execute0_lowered;
	s5 =	sadd.s32 s5, s7;
	[dreg:$0x0] =	wrdreg $0x0  }
0xb8: {  	s7 =	sshll.u32 s28, $0x1;
	[dreg:$0x2] =	wrdreg s5  }
0xb9: {  	[dreg:$0x3] =	wrdreg s7  }
0xba: {  	[dreg:$0x4] =	wrdreg $0xC0  }
0xbb: {  	_ =	task [dreg:s22], $0x5FFFF  }
0xbc: {  	[dreg:$0x1] =	wrdreg $0xFFFFFFFF  }
0xbd: {  	[dreg:$0x0] =	wrdreg $0x60  }
0xbe: {  	[dreg:$0x2] =	wrdreg s4  }
0xbf: {  	[dreg:$0x3] =	wrdreg s24  }
0xc0: {  	[dreg:$0x4] =	wrdreg s18  }
0xc1: {  	[dreg:$0x5] =	wrdreg $0x9  }
0xc2: {  	_ =	task.clear_ibuf [dreg:s22], $0x6FFFF;
	_ =	strace $0x90000052  }
0xc3: {  	s29 =	simm.s32 $0x9;
	_ =	strace $0x80000054  }
0xc4: {  	_ =	swait.ge [sflag:s29], $0x1  }
0xc5: {  	[sflag:s29] =	ssyncadd.s32 $0xFFFFFFFF  }
0xc6: {  	_ =	strace $0x90000054  }
0xc7: {  	_ =	sfence  }
0xc8: {  	s30 =	sld [smem:$0x0];
	_ =	sdelay $0x2  }
0xc9: {  	s31 =	sshll.u32 s1, $0xD;
	s1 =	sshrl.u32 s1, $0x2  }
0xca: {  	s4 =	sand.u32 $0x4000, s31;
	s1 =	sadd.s32 s1, s30  }
0xcb: {  	s0 =	sor.u32 s4, s0;
	s1 =	sshll.u32 s1, $0x11  }
0xcc: {  	s0 =	sor.u32 s1, s0  }
0xcd: {  	s0 =	sadd.s32 $0x8F2B, s0  }
0xce: {  	[sflag:s0] =	ssyncadd.remote.s32 $0x1  }
0xcf: {  	_ =	sfence.sel $0xFFFF  }
0xd0: {  	[dreg:$0x0] =	wrdreg $0xFFFFFFFF;
	(pc) =	sbr.abs _section_cstart, $3  }
0xd1: {  	[dreg:$0x1] =	wrdreg $0xFFFFFFFF  }
0xd2: {  	_ =	task.clear_ibuf [dreg:s22], $0x2FFFF;
	_ =	strace $0x9FFFFFFF  }
0xd3: {  	(tm) =	ssettm $0x7FFFFFFF  }
tec
execute0_lowered:
.L_overlay_start_1:
0x0: {  	(tag) =	ssettag $0x1  }
0x1: {  	s2 =	rddreg [dreg:$0x0]  }
0x2: {  	s7 =	rddreg [dreg:$0x1];
	s0 =	srdreg.scid  }
0x3: {  	s3 =	rddreg [dreg:$0x2];
	s1 =	stileid.u32;
	s6 =	simm.s32 $0x2  }
0x4: {  	s11 =	simm.s32 $0x3;
	s13 =	simm.s32 $0x0;
	s4 =	sshll.u32 s0, $0x7  }
0x5: {  	s15 =	simm.s32 $0x0;
	s5 =	sshll.u32 s1, $0x8;
	s4 =	sand.u32 $0x80, s4  }
0x6: {  	s14 =	simm.s32 $0x0;
	s0 =	rddreg [dreg:$0x3];
	s4 =	sor.u32 s5, s4  }
0x7: {  	_ =	strace $0x80000053;
	s5 =	simm.s32 $0x1;
	s9 =	ssub.s32 $0x1000, s4  }
0x8: {  	s8 =	sshrl.u32 s4, $0x3;
	[sflag:s5] =	ssyncpa.u1 $0x0;
	s10 =	sand.u32 $0xF80, s9  }
.Ltmp0:
0x9: {  	[sflag:s6] =	ssyncpa.u1 $0x0;
	s9 =	sshrl.u32 s9, $0xC;
	(pc) =	sbr.rel .LBB2_1-.Ltmp0, $4  }
0xa: {  	s8 =	sadd.s32 s8, s7;
	p0 =	sne.s32 s10, $0x0;
	s10 =	simm.s32 $0x1  }
0xb: {  	[sflag:s11] =	ssyncpa.u1 $0x0;
	s8 =	sadd.s32 $0x1C00, s8;
	s10 =	simm.s32 @!p0 $0x0  }
0xc: {  	s11 =	sadd.s32 $0x3000, s3;
	p0 =	por $0x0, $0x0;
	s7 =	sadd.s32 s10, s9  }
0xd: {  	vm0 =	vmmov $0xffff;
	s9 =	sadd.s32 $0x1000, s3;
	s10 =	sadd.s32 $0x2000, s3;
	s12 =	sadd.s32 $0x1, s7  }
.LBB2_4:
0xe: {  	_ =	sdelay $0x3  }
0xf: {  	[tilespmem:s19], [sflag:$0x1] =	stream.indirect_vreg.gather [hbm4b:s2+s13], $0x1, v0, vm0, $0x4038;
	[tilespmem:$0x2100] =	vst v63  }
0x10: {  	v0 =	vld.msk [tilespmem:s22+$0x0 ss:$0x1], $0xffff;
	_ =	sdelay $0x4  }
0x11: {  	vm1 =	vgt.s32 v0, $0x0  }
0x12: {  	v0 =	vnsel vm1, $0x0, v0  }
0x13: {  	v0 =	vmin.u32 v0, $0xF423F  }
0x14: {  	v1 =	vshll.u32 v0, $0x3  }
0x15: {  	v0 =	vand.u32 $0x7F, v0;
	v1 =	vand.u32 $0x7FFC00, v1  }
0x16: {  	v0 =	vor.u32 v0, v1;
	_ =	sdelay $0x2  }
0x17: {  	(ifvalue) =	ssetifvalue $0x7FFFFFFF;
	s18 =	rddreg [dreg:$0x5];
	v1 =	vor.u32 $0x80, v0  }
0x18: {  	s18 =	sadd.s32 s21, s18;
	(ifvalue) =	ssetifvalue $0x7FFFFFFF  }
0x19: {  	[tilespmem:s18], [sflag:$0x1] =	stream.indirect_vreg.gather [hbm4b:s2+s13], $0x1, v0, vm0, $0x4038;
	[tilespmem:$0x2100] =	vst v63  }
0x1a: {  	v2 =	vor.u32 $0x100, v0;
	(ifvalue) =	ssetifvalue $0x7FFFFFFF  }
0x1b: {  	s26 =	sadd.s32 $0x80, s18;
	(ifvalue) =	ssetifvalue $0x7FFFFFFF  }
0x1c: {  	[tilespmem:s26], [sflag:$0x1] =	stream.indirect_vreg.gather [hbm4b:s2+s13], $0x1, v1, vm0, $0x4038;
	[tilespmem:$0x2100] =	vst v63  }
0x1d: {  	v36 =	vor.u32 $0x180, v0;
	(ifvalue) =	ssetifvalue $0x7FFFFFFF  }
0x1e: {  	s28 =	sadd.s32 $0x100, s18;
	(ifvalue) =	ssetifvalue $0x7FFFFFFF  }
0x1f: {  	[tilespmem:s28], [sflag:$0x1] =	stream.indirect_vreg.gather [hbm4b:s2+s13], $0x1, v2, vm0, $0x4038;
	[tilespmem:$0x2100] =	vst v63  }
0x20: {  	v37 =	vor.u32 $0x200, v0;
	(ifvalue) =	ssetifvalue $0x7FFFFFFF  }
0x21: {  	s29 =	sadd.s32 $0x180, s18;
	(ifvalue) =	ssetifvalue $0x7FFFFFFF  }
0x22: {  	[tilespmem:s29], [sflag:$0x1] =	stream.indirect_vreg.gather [hbm4b:s2+s13], $0x1, v36, vm0, $0x4038;
	[tilespmem:$0x2100] =	vst v63  }
0x23: {  	v38 =	vor.u32 $0x280, v0;
	(ifvalue) =	ssetifvalue $0x7FFFFFFF  }
0x24: {  	s30 =	sadd.s32 $0x200, s18;
	(ifvalue) =	ssetifvalue $0x7FFFFFFF  }
0x25: {  	[tilespmem:s30], [sflag:$0x1] =	stream.indirect_vreg.gather [hbm4b:s2+s13], $0x1, v37, vm0, $0x4038;
	[tilespmem:$0x2100] =	vst v63  }
0x26: {  	v39 =	vor.u32 $0x300, v0;
	(ifvalue) =	ssetifvalue $0x7FFFFFFF  }
0x27: {  	s31 =	sadd.s32 $0x280, s18;
	(ifvalue) =	ssetifvalue $0x7FFFFFFF  }
0x28: {  	[tilespmem:s31], [sflag:$0x1] =	stream.indirect_vreg.gather [hbm4b:s2+s13], $0x1, v38, vm0, $0x4038;
	[tilespmem:$0x2100] =	vst v63  }
0x29: {  	v40 =	vor.u32 $0x380, v0;
	(ifvalue) =	ssetifvalue $0x7FFFFFFF  }
0x2a: {  	s20 =	sadd.s32 $0x300, s18;
	(ifvalue) =	ssetifvalue $0x7FFFFFFF  }
0x2b: {  	[tilespmem:s20], [sflag:$0x1] =	stream.indirect_vreg.gather [hbm4b:s2+s13], $0x1, v39, vm0, $0x4038;
	[tilespmem:$0x2100] =	vst v63  }
0x2c: {  	v41 =	vadd.s32 $0x7A1400, v0;
	(ifvalue) =	ssetifvalue $0x7FFFFFFF  }
0x2d: {  	s21 =	sadd.s32 $0x380, s18;
	(ifvalue) =	ssetifvalue $0x7FFFFFFF  }
0x2e: {  	[tilespmem:s21], [sflag:$0x1] =	stream.indirect_vreg.gather [hbm4b:s2+s13], $0x1, v40, vm0, $0x4038;
	[tilespmem:$0x2100] =	vst v63  }
0x2f: {  	v42 =	vadd.s32 $0x7A1480, v0;
	(ifvalue) =	ssetifvalue $0x7FFFFFFF  }
0x30: {  	s22 =	sadd.s32 $0x400, s18;
	(ifvalue) =	ssetifvalue $0x7FFFFFFF  }
0x31: {  	[tilespmem:s22], [sflag:$0x1] =	stream.indirect_vreg.gather [hbm4b:s2+s13], $0x1, v41, vm0, $0x4038;
	[tilespmem:$0x2100] =	vst v63  }
0x32: {  	v43 =	vadd.s32 $0x7A1500, v0;
	(ifvalue) =	ssetifvalue $0x7FFFFFFF  }
0x33: {  	s23 =	sadd.s32 $0x480, s18;
	(ifvalue) =	ssetifvalue $0x7FFFFFFF  }
0x34: {  	[tilespmem:s23], [sflag:$0x1] =	stream.indirect_vreg.gather [hbm4b:s2+s13], $0x1, v42, vm0, $0x4038;
	[tilespmem:$0x2100] =	vst v63  }
0x35: {  	v44 =	vadd.s32 $0x7A1580, v0;
	(ifvalue) =	ssetifvalue $0x7FFFFFFF  }
0x36: {  	s24 =	sadd.s32 $0x500, s18;
	(ifvalue) =	ssetifvalue $0x7FFFFFFF  }
0x37: {  	[tilespmem:s24], [sflag:$0x1] =	stream.indirect_vreg.gather [hbm4b:s2+s13], $0x1, v43, vm0, $0x4038;
	[tilespmem:$0x2100] =	vst v63  }
0x38: {  	v45 =	vadd.s32 $0x7A1600, v0;
	(ifvalue) =	ssetifvalue $0x7FFFFFFF  }
0x39: {  	s25 =	sadd.s32 $0x580, s18;
	(ifvalue) =	ssetifvalue $0x7FFFFFFF  }
0x3a: {  	[tilespmem:s25], [sflag:$0x1] =	stream.indirect_vreg.gather [hbm4b:s2+s13], $0x1, v44, vm0, $0x4038;
	[tilespmem:$0x2100] =	vst v63  }
0x3b: {  	v46 =	vadd.s32 $0x7A1680, v0;
	(ifvalue) =	ssetifvalue $0x7FFFFFFF  }
0x3c: {  	s26 =	sadd.s32 $0x600, s18;
	(ifvalue) =	ssetifvalue $0x7FFFFFFF  }
0x3d: {  	[tilespmem:s26], [sflag:$0x1] =	stream.indirect_vreg.gather [hbm4b:s2+s13], $0x1, v45, vm0, $0x4038;
	[tilespmem:$0x2100] =	vst v63  }
0x3e: {  	v47 =	vadd.s32 $0x7A1700, v0;
	(ifvalue) =	ssetifvalue $0x7FFFFFFF  }
0x3f: {  	s28 =	sadd.s32 $0x680, s18;
	(ifvalue) =	ssetifvalue $0x7FFFFFFF  }
0x40: {  	[tilespmem:s28], [sflag:$0x1] =	stream.indirect_vreg.gather [hbm4b:s2+s13], $0x1, v46, vm0, $0x4038;
	[tilespmem:$0x2100] =	vst v63  }
0x41: {  	v48 =	vadd.s32 $0x7A1780, v0;
	(ifvalue) =	ssetifvalue $0x7FFFFFFF  }
0x42: {  	s29 =	sadd.s32 $0x700, s18;
	(ifvalue) =	ssetifvalue $0x7FFFFFFF  }
0x43: {  	[tilespmem:s29], [sflag:$0x1] =	stream.indirect_vreg.gather [hbm4b:s2+s13], $0x1, v47, vm0, $0x4038;
	[tilespmem:$0x2100] =	vst v63  }
0x44: {  	v49 =	vadd.s32 $0xF42800, v0;
	(ifvalue) =	ssetifvalue $0x7FFFFFFF  }
0x45: {  	s30 =	sadd.s32 $0x780, s18;
	(ifvalue) =	ssetifvalue $0x7FFFFFFF  }
0x46: {  	[tilespmem:s30], [sflag:$0x1] =	stream.indirect_vreg.gather [hbm4b:s2+s13], $0x1, v48, vm0, $0x4038;
	[tilespmem:$0x2100] =	vst v63  }
0x47: {  	v50 =	vadd.s32 $0xF42880, v0;
	(ifvalue) =	ssetifvalue $0x7FFFFFFF  }
0x48: {  	s31 =	sadd.s32 $0x800, s18;
	(ifvalue) =	ssetifvalue $0x7FFFFFFF  }
0x49: {  	[tilespmem:s31], [sflag:$0x1] =	stream.indirect_vreg.gather [hbm4b:s2+s13], $0x1, v49, vm0, $0x4038;
	[tilespmem:$0x2100] =	vst v63  }
0x4a: {  	v51 =	vadd.s32 $0xF42900, v0;
	(ifvalue) =	ssetifvalue $0x7FFFFFFF  }
0x4b: {  	s20 =	sadd.s32 $0x880, s18;
	(ifvalue) =	ssetifvalue $0x7FFFFFFF  }
0x4c: {  	[tilespmem:s20], [sflag:$0x1] =	stream.indirect_vreg.gather [hbm4b:s2+s13], $0x1, v50, vm0, $0x4038;
	[tilespmem:$0x2100] =	vst v63  }
0x4d: {  	v52 =	vadd.s32 $0xF42980, v0;
	(ifvalue) =	ssetifvalue $0x7FFFFFFF  }
0x4e: {  	s21 =	sadd.s32 $0x900, s18;
	(ifvalue) =	ssetifvalue $0x7FFFFFFF  }
0x4f: {  	[tilespmem:s21], [sflag:$0x1] =	stream.indirect_vreg.gather [hbm4b:s2+s13], $0x1, v51, vm0, $0x4038;
	[tilespmem:$0x2100] =	vst v63  }
0x50: {  	v53 =	vadd.s32 $0xF42A00, v0;
	(ifvalue) =	ssetifvalue $0x7FFFFFFF  }
0x51: {  	s22 =	sadd.s32 $0x980, s18;
	(ifvalue) =	ssetifvalue $0x7FFFFFFF  }
0x52: {  	[tilespmem:s22], [sflag:$0x1] =	stream.indirect_vreg.gather [hbm4b:s2+s13], $0x1, v52, vm0, $0x4038;
	[tilespmem:$0x2100] =	vst v63  }
0x53: {  	v54 =	vadd.s32 $0xF42A80, v0;
	(ifvalue) =	ssetifvalue $0x7FFFFFFF  }
0x54: {  	s23 =	sadd.s32 $0xA00, s18;
	(ifvalue) =	ssetifvalue $0x7FFFFFFF  }
0x55: {  	[tilespmem:s23], [sflag:$0x1] =	stream.indirect_vreg.gather [hbm4b:s2+s13], $0x1, v53, vm0, $0x4038;
	[tilespmem:$0x2100] =	vst v63  }
0x56: {  	v55 =	vadd.s32 $0xF42B00, v0;
	(ifvalue) =	ssetifvalue $0x7FFFFFFF  }
0x57: {  	s24 =	sadd.s32 $0xA80, s18;
	(ifvalue) =	ssetifvalue $0x7FFFFFFF  }
0x58: {  	[tilespmem:s24], [sflag:$0x1] =	stream.indirect_vreg.gather [hbm4b:s2+s13], $0x1, v54, vm0, $0x4038;
	[tilespmem:$0x2100] =	vst v63  }
0x59: {  	v56 =	vadd.s32 $0xF42B80, v0;
	(ifvalue) =	ssetifvalue $0x7FFFFFFF  }
0x5a: {  	s25 =	sadd.s32 $0xB00, s18;
	(ifvalue) =	ssetifvalue $0x7FFFFFFF  }
0x5b: {  	[tilespmem:s25], [sflag:$0x1] =	stream.indirect_vreg.gather [hbm4b:s2+s13], $0x1, v55, vm0, $0x4038;
	[tilespmem:$0x2100] =	vst v63  }
0x5c: {  	v57 =	vadd.s32 $0x16E3C00, v0;
	(ifvalue) =	ssetifvalue $0x7FFFFFFF  }
0x5d: {  	s26 =	sadd.s32 $0xB80, s18;
	(ifvalue) =	ssetifvalue $0x7FFFFFFF  }
0x5e: {  	[tilespmem:s26], [sflag:$0x1] =	stream.indirect_vreg.gather [hbm4b:s2+s13], $0x1, v56, vm0, $0x4038;
	[tilespmem:$0x2100] =	vst v63  }
0x5f: {  	v58 =	vadd.s32 $0x16E3C80, v0;
	(ifvalue) =	ssetifvalue $0x7FFFFFFF  }
0x60: {  	s28 =	sadd.s32 $0xC00, s18;
	(ifvalue) =	ssetifvalue $0x7FFFFFFF  }
0x61: {  	[tilespmem:s28], [sflag:$0x1] =	stream.indirect_vreg.gather [hbm4b:s2+s13], $0x1, v57, vm0, $0x4038;
	[tilespmem:$0x2100] =	vst v63  }
0x62: {  	v59 =	vadd.s32 $0x16E3D00, v0;
	(ifvalue) =	ssetifvalue $0x7FFFFFFF  }
0x63: {  	s29 =	sadd.s32 $0xC80, s18;
	(ifvalue) =	ssetifvalue $0x7FFFFFFF  }
0x64: {  	[tilespmem:s29], [sflag:$0x1] =	stream.indirect_vreg.gather [hbm4b:s2+s13], $0x1, v58, vm0, $0x4038;
	[tilespmem:$0x2100] =	vst v63  }
0x65: {  	v60 =	vadd.s32 $0x16E3D80, v0;
	(ifvalue) =	ssetifvalue $0x7FFFFFFF  }
0x66: {  	s30 =	sadd.s32 $0xD00, s18;
	(ifvalue) =	ssetifvalue $0x7FFFFFFF  }
0x67: {  	[tilespmem:s30], [sflag:$0x1] =	stream.indirect_vreg.gather [hbm4b:s2+s13], $0x1, v59, vm0, $0x4038;
	[tilespmem:$0x2100] =	vst v63  }
0x68: {  	v61 =	vadd.s32 $0x16E3E00, v0;
	(ifvalue) =	ssetifvalue $0x7FFFFFFF  }
0x69: {  	s31 =	sadd.s32 $0xD80, s18;
	(ifvalue) =	ssetifvalue $0x7FFFFFFF  }
0x6a: {  	[tilespmem:s31], [sflag:$0x1] =	stream.indirect_vreg.gather [hbm4b:s2+s13], $0x1, v60, vm0, $0x4038;
	[tilespmem:$0x2100] =	vst v63  }
0x6b: {  	v62 =	vadd.s32 $0x16E3E80, v0;
	(ifvalue) =	ssetifvalue $0x7FFFFFFF  }
0x6c: {  	s20 =	sadd.s32 $0xE00, s18;
	(ifvalue) =	ssetifvalue $0x7FFFFFFF  }
0x6d: {  	[tilespmem:s20], [sflag:$0x1] =	stream.indirect_vreg.gather [hbm4b:s2+s13], $0x1, v61, vm0, $0x4038;
	[tilespmem:$0x2100] =	vst v63  }
0x6e: {  	v63 =	vadd.s32 $0x16E3F00, v0;
	(ifvalue) =	ssetifvalue $0x7FFFFFFF  }
0x6f: {  	s21 =	sadd.s32 $0xE80, s18;
	(ifvalue) =	ssetifvalue $0x7FFFFFFF  }
0x70: {  	[tilespmem:s21], [sflag:$0x1] =	stream.indirect_vreg.gather [hbm4b:s2+s13], $0x1, v62, vm0, $0x4038;
	[tilespmem:$0x2100] =	vst v63  }
0x71: {  	v0 =	vadd.s32 $0x16E3F80, v0;
	(ifvalue) =	ssetifvalue $0x7FFFFFFF  }
0x72: {  	s22 =	sadd.s32 $0xF00, s18;
	(ifvalue) =	ssetifvalue $0x7FFFFFFF  }
0x73: {  	[tilespmem:s22], [sflag:$0x1] =	stream.indirect_vreg.gather [hbm4b:s2+s13], $0x1, v63, vm0, $0x4038;
	[tilespmem:$0x2100] =	vst v63  }
0x74: {  	(ifvalue) =	ssetifvalue $0x7FFFFFFF  }
0x75: {  	s18 =	sadd.s32 $0xF80, s18;
	s23 =	sshll.u32 s15, $0x3;
	(ifvalue) =	ssetifvalue $0x7FFFFFFF  }
0x76: {  	[tilespmem:s18], [sflag:$0x1] =	stream.indirect_vreg.gather [hbm4b:s2+s13], $0x1, v0, vm0, $0x4038;
	[tilespmem:$0x2100] =	vst v63  }
0x77: {  	s24 =	sand.u32 $0x78, s15;
	s18 =	sand.u32 $0x7FFFFC00, s23  }
0x78: {  	_ =	swait.ge [sflag:s5], $0x1000;
	s15 =	sor.u32 s24, s18  }
0x79: {  	[sflag:s5] =	ssyncset.done $0x0;
	s15 =	sshrl.u32 s15, $0x3  }
0x7a: {  	[sflag:s5] =	ssyncadd.s32 $0xFFFFF000;
	s25 =	sadd.s32 s3, s15  }
0x7b: {  	[hbm:s25] =	stream.linear.scatter [tilespmem:s17], [sflag:$0x3], $0x400, $0x38;
	[tilespmem:$0x2100] =	vst v63  }
0x7c: {  	s26 =	sadd.s32 $0x500, s16;
	s28 =	sadd.s32 s15, s9  }
0x7d: {  	[hbm:s28] =	stream.linear.scatter [tilespmem:s26], [sflag:$0x3], $0x400, $0x38;
	[tilespmem:$0x2100] =	vst v63  }
0x7e: {  	s29 =	sadd.s32 $0x900, s16;
	s30 =	sadd.s32 s15, s10  }
0x7f: {  	[hbm:s30] =	stream.linear.scatter [tilespmem:s29], [sflag:$0x3], $0x400, $0x38;
	[tilespmem:$0x2100] =	vst v63  }
0x80: {  	s31 =	sadd.s32 $0xD00, s16;
	s15 =	sadd.s32 s15, s11  }
0x81: {  	[hbm:s15] =	stream.linear.scatter [tilespmem:s31], [sflag:$0x3], $0x400, $0x38;
	[tilespmem:$0x2100] =	vst v63  }
.LBB2_5:
0x82: {  	p2 =	sne.s32 s14, s12  }
.Ltmp1:
0x83: {  	p1 =	slt.u32 s14, $0x2;
	(pc) =	sbr.rel @!p2 .LBB2_6-.Ltmp1, $4  }
0x84: {  	s15 =	simm.s32 @!p1 $0x3  }
0x85: {  	_ =	swait.ge @!p1 [sflag:s15], $0x1000  }
0x86: {  	s16 =	sadd.s32 $0x1, s14;
	p0 =	por !p0, !p0;
	[sflag:s15] =	ssyncset.done @!p1 $0x0  }
0x87: {  	s14 =	smov.u32 s16;
	[sflag:s15] =	ssyncadd.s32 @!p1 $0xFFFFF000;
	s15 =	smov.u32 s4  }
.LBB2_1:
0x88: {  	p1 =	sge.u32 s14, s7  }
0x89: {  	s16 =	sxor.u32 @!p1 $0xFFFFFFFF, s14  }
0x8a: {  	s16 =	sshll.u32 @!p1 s16, $0x7  }
0x8b: {  	s31 =	sadd.s32 $0xFFFFFFFF, s14;
	s17 =	simm.s32 @!p1 $0x0;
	s16 =	sand.u32 @!p1 $0x80, s16  }
0x8c: {  	[tilespmem:s16], [sflag:$0x2] =	stream.linear.gather @!p1 [hbm4b:s8+s17], $0x80, $0x38;
	[tilespmem:$0x2100] =	vst v63  }
0x8d: {  	p1 =	sge.u32 s31, s7  }
.Ltmp2:
0x8e: {  	_ = 	snop;
	(pc) =	sbr.rel @p1 .LBB2_5-.Ltmp2, $1  }
0x8f: {  	_ =	sdelay $0x3  }
0x90: {  	s16 =	simm.s32 $0x1  }
0x91: {  	s16 =	simm.s32 @!p0 $0x0  }
0x92: {  	s17 =	sshll.u32 s16, $0xC;
	s16 =	sshll.u32 s16, $0x7  }
0x93: {  	s17 =	sor.u32 $0x100, s17;
	[dreg:$0x4] =	wrdreg s16  }
0x94: {  	[dreg:$0x5] =	wrdreg s17  }
0x95: {  	_ =	swait.ge [sflag:s6], $0x80  }
0x96: {  	s26 =	rddreg [dreg:$0x4];
	[sflag:s6] =	ssyncset.done $0x0  }
0x97: {  	[sflag:s6] =	ssyncadd.s32 $0xFFFFFF80;
	s16 =	sadd.s32 $0x0, s26  }
0x98: {  	v0 =	vld.msk [tilespmem:s16+$0x0 ss:$0x1], $0xffff;
	_ =	sdelay $0x4  }
0x99: {  	vm1 =	vgt.s32 v0, $0x0  }
0x9a: {  	v0 =	vnsel vm1, $0x0, v0  }
0x9b: {  	v0 =	vmin.u32 v0, $0xF423F  }
0x9c: {  	v1 =	vshll.u32 v0, $0x3  }
0x9d: {  	v0 =	vand.u32 $0x7F, v0;
	v1 =	vand.u32 $0x7FFC00, v1  }
0x9e: {  	v0 =	vor.u32 v0, v1;
	_ =	sdelay $0x2  }
0x9f: {  	(ifvalue) =	ssetifvalue $0x7FFFFFFF;
	s28 =	rddreg [dreg:$0x5];
	v1 =	vor.u32 $0x80, v0  }
0xa0: {  	s19 =	sadd.s32 $0x0, s28;
	(ifvalue) =	ssetifvalue $0x7FFFFFFF  }
0xa1: {  	[tilespmem:s19], [sflag:$0x1] =	stream.indirect_vreg.gather [hbm4b:s2+s13], $0x1, v0, vm0, $0x4038;
	[tilespmem:$0x2100] =	vst v63  }
0xa2: {  	v2 =	vor.u32 $0x100, v0;
	(ifvalue) =	ssetifvalue $0x7FFFFFFF  }
0xa3: {  	s16 =	sadd.s32 $0x80, s19;
	(ifvalue) =	ssetifvalue $0x7FFFFFFF  }
0xa4: {  	[tilespmem:s16], [sflag:$0x1] =	stream.indirect_vreg.gather [hbm4b:s2+s13], $0x1, v1, vm0, $0x4038;
	[tilespmem:$0x2100] =	vst v63  }
0xa5: {  	v1 =	vor.u32 $0x180, v0;
	(ifvalue) =	ssetifvalue $0x7FFFFFFF  }
0xa6: {  	s29 =	sadd.s32 $0x100, s19;
	(ifvalue) =	ssetifvalue $0x7FFFFFFF  }
0xa7: {  	[tilespmem:s29], [sflag:$0x1] =	stream.indirect_vreg.gather [hbm4b:s2+s13], $0x1, v2, vm0, $0x4038;
	[tilespmem:$0x2100] =	vst v63  }
0xa8: {  	v2 =	vor.u32 $0x200, v0;
	(ifvalue) =	ssetifvalue $0x7FFFFFFF  }
0xa9: {  	s30 =	sadd.s32 $0x180, s19;
	(ifvalue) =	ssetifvalue $0x7FFFFFFF  }
0xaa: {  	[tilespmem:s30], [sflag:$0x1] =	stream.indirect_vreg.gather [hbm4b:s2+s13], $0x1, v1, vm0, $0x4038;
	[tilespmem:$0x2100] =	vst v63  }
0xab: {  	(ifvalue) =	ssetifvalue $0x7FFFFFFF;
	v1 =	vor.u32 $0x280, v0  }
0xac: {  	s31 =	sadd.s32 $0x200, s19;
	(ifvalue) =	ssetifvalue $0x7FFFFFFF  }
0xad: {  	[tilespmem:s31], [sflag:$0x1] =	stream.indirect_vreg.gather [hbm4b:s2+s13], $0x1, v2, vm0, $0x4038;
	[tilespmem:$0x2100] =	vst v63  }
0xae: {  	(ifvalue) =	ssetifvalue $0x7FFFFFFF;
	v2 =	vor.u32 $0x300, v0  }
0xaf: {  	s17 =	sadd.s32 $0x280, s19;
	(ifvalue) =	ssetifvalue $0x7FFFFFFF  }
0xb0: {  	[tilespmem:s17], [sflag:$0x1] =	stream.indirect_vreg.gather [hbm4b:s2+s13], $0x1, v1, vm0, $0x4038;
	[tilespmem:$0x2100] =	vst v63  }
0xb1: {  	(ifvalue) =	ssetifvalue $0x7FFFFFFF;
	v1 =	vor.u32 $0x380, v0  }
0xb2: {  	s18 =	sadd.s32 $0x300, s19;
	(ifvalue) =	ssetifvalue $0x7FFFFFFF  }
0xb3: {  	[tilespmem:s18], [sflag:$0x1] =	stream.indirect_vreg.gather [hbm4b:s2+s13], $0x1, v2, vm0, $0x4038;
	[tilespmem:$0x2100] =	vst v63  }
0xb4: {  	(ifvalue) =	ssetifvalue $0x7FFFFFFF;
	v2 =	vadd.s32 $0x7A1400, v0  }
0xb5: {  	s20 =	sadd.s32 $0x380, s19;
	(ifvalue) =	ssetifvalue $0x7FFFFFFF  }
0xb6: {  	[tilespmem:s20], [sflag:$0x1] =	stream.indirect_vreg.gather [hbm4b:s2+s13], $0x1, v1, vm0, $0x4038;
	[tilespmem:$0x2100] =	vst v63  }
0xb7: {  	(ifvalue) =	ssetifvalue $0x7FFFFFFF;
	v1 =	vadd.s32 $0x7A1480, v0  }
0xb8: {  	s21 =	sadd.s32 $0x400, s19;
	(ifvalue) =	ssetifvalue $0x7FFFFFFF  }
0xb9: {  	[tilespmem:s21], [sflag:$0x1] =	stream.indirect_vreg.gather [hbm4b:s2+s13], $0x1, v2, vm0, $0x4038;
	[tilespmem:$0x2100] =	vst v63  }
0xba: {  	(ifvalue) =	ssetifvalue $0x7FFFFFFF;
	v2 =	vadd.s32 $0x7A1500, v0  }
0xbb: {  	s22 =	sadd.s32 $0x480, s19;
	(ifvalue) =	ssetifvalue $0x7FFFFFFF  }
0xbc: {  	[tilespmem:s22], [sflag:$0x1] =	stream.indirect_vreg.gather [hbm4b:s2+s13], $0x1, v1, vm0, $0x4038;
	[tilespmem:$0x2100] =	vst v63  }
0xbd: {  	(ifvalue) =	ssetifvalue $0x7FFFFFFF;
	v1 =	vadd.s32 $0x7A1580, v0  }
0xbe: {  	s23 =	sadd.s32 $0x500, s19;
	(ifvalue) =	ssetifvalue $0x7FFFFFFF  }
0xbf: {  	[tilespmem:s23], [sflag:$0x1] =	stream.indirect_vreg.gather [hbm4b:s2+s13], $0x1, v2, vm0, $0x4038;
	[tilespmem:$0x2100] =	vst v63  }
0xc0: {  	(ifvalue) =	ssetifvalue $0x7FFFFFFF;
	v2 =	vadd.s32 $0x7A1600, v0  }
0xc1: {  	s24 =	sadd.s32 $0x580, s19;
	(ifvalue) =	ssetifvalue $0x7FFFFFFF  }
0xc2: {  	[tilespmem:s24], [sflag:$0x1] =	stream.indirect_vreg.gather [hbm4b:s2+s13], $0x1, v1, vm0, $0x4038;
	[tilespmem:$0x2100] =	vst v63  }
0xc3: {  	(ifvalue) =	ssetifvalue $0x7FFFFFFF;
	v1 =	vadd.s32 $0x7A1680, v0  }
0xc4: {  	s25 =	sadd.s32 $0x600, s19;
	(ifvalue) =	ssetifvalue $0x7FFFFFFF  }
0xc5: {  	[tilespmem:s25], [sflag:$0x1] =	stream.indirect_vreg.gather [hbm4b:s2+s13], $0x1, v2, vm0, $0x4038;
	[tilespmem:$0x2100] =	vst v63  }
0xc6: {  	(ifvalue) =	ssetifvalue $0x7FFFFFFF;
	v2 =	vadd.s32 $0x7A1700, v0  }
0xc7: {  	s26 =	sadd.s32 $0x680, s19;
	(ifvalue) =	ssetifvalue $0x7FFFFFFF  }
0xc8: {  	[tilespmem:s26], [sflag:$0x1] =	stream.indirect_vreg.gather [hbm4b:s2+s13], $0x1, v1, vm0, $0x4038;
	[tilespmem:$0x2100] =	vst v63  }
0xc9: {  	(ifvalue) =	ssetifvalue $0x7FFFFFFF;
	v1 =	vadd.s32 $0x7A1780, v0  }
0xca: {  	s28 =	sadd.s32 $0x700, s19;
	(ifvalue) =	ssetifvalue $0x7FFFFFFF  }
0xcb: {  	[tilespmem:s28], [sflag:$0x1] =	stream.indirect_vreg.gather [hbm4b:s2+s13], $0x1, v2, vm0, $0x4038;
	[tilespmem:$0x2100] =	vst v63  }
0xcc: {  	(ifvalue) =	ssetifvalue $0x7FFFFFFF;
	v2 =	vadd.s32 $0xF42800, v0  }
0xcd: {  	s29 =	sadd.s32 $0x780, s19;
	(ifvalue) =	ssetifvalue $0x7FFFFFFF  }
0xce: {  	[tilespmem:s29], [sflag:$0x1] =	stream.indirect_vreg.gather [hbm4b:s2+s13], $0x1, v1, vm0, $0x4038;
	[tilespmem:$0x2100] =	vst v63  }
0xcf: {  	(ifvalue) =	ssetifvalue $0x7FFFFFFF;
	v1 =	vadd.s32 $0xF42880, v0  }
0xd0: {  	s30 =	sadd.s32 $0x800, s19;
	(ifvalue) =	ssetifvalue $0x7FFFFFFF  }
0xd1: {  	[tilespmem:s30], [sflag:$0x1] =	stream.indirect_vreg.gather [hbm4b:s2+s13], $0x1, v2, vm0, $0x4038;
	[tilespmem:$0x2100] =	vst v63  }
0xd2: {  	(ifvalue) =	ssetifvalue $0x7FFFFFFF;
	v2 =	vadd.s32 $0xF42900, v0  }
0xd3: {  	s31 =	sadd.s32 $0x880, s19;
	(ifvalue) =	ssetifvalue $0x7FFFFFFF  }
0xd4: {  	[tilespmem:s31], [sflag:$0x1] =	stream.indirect_vreg.gather [hbm4b:s2+s13], $0x1, v1, vm0, $0x4038;
	[tilespmem:$0x2100] =	vst v63  }
0xd5: {  	(ifvalue) =	ssetifvalue $0x7FFFFFFF;
	v1 =	vadd.s32 $0xF42980, v0  }
0xd6: {  	s17 =	sadd.s32 $0x900, s19;
	(ifvalue) =	ssetifvalue $0x7FFFFFFF  }
0xd7: {  	[tilespmem:s17], [sflag:$0x1] =	stream.indirect_vreg.gather [hbm4b:s2+s13], $0x1, v2, vm0, $0x4038;
	[tilespmem:$0x2100] =	vst v63  }
0xd8: {  	(ifvalue) =	ssetifvalue $0x7FFFFFFF;
	v2 =	vadd.s32 $0xF42A00, v0  }
0xd9: {  	s18 =	sadd.s32 $0x980, s19;
	(ifvalue) =	ssetifvalue $0x7FFFFFFF  }
0xda: {  	[tilespmem:s18], [sflag:$0x1] =	stream.indirect_vreg.gather [hbm4b:s2+s13], $0x1, v1, vm0, $0x4038;
	[tilespmem:$0x2100] =	vst v63  }
0xdb: {  	(ifvalue) =	ssetifvalue $0x7FFFFFFF;
	v1 =	vadd.s32 $0xF42A80, v0  }
0xdc: {  	s20 =	sadd.s32 $0xA00, s19;
	(ifvalue) =	ssetifvalue $0x7FFFFFFF  }
0xdd: {  	[tilespmem:s20], [sflag:$0x1] =	stream.indirect_vreg.gather [hbm4b:s2+s13], $0x1, v2, vm0, $0x4038;
	[tilespmem:$0x2100] =	vst v63  }
0xde: {  	(ifvalue) =	ssetifvalue $0x7FFFFFFF;
	v2 =	vadd.s32 $0xF42B00, v0  }
0xdf: {  	s21 =	sadd.s32 $0xA80, s19;
	(ifvalue) =	ssetifvalue $0x7FFFFFFF  }
0xe0: {  	[tilespmem:s21], [sflag:$0x1] =	stream.indirect_vreg.gather [hbm4b:s2+s13], $0x1, v1, vm0, $0x4038;
	[tilespmem:$0x2100] =	vst v63  }
0xe1: {  	(ifvalue) =	ssetifvalue $0x7FFFFFFF;
	v1 =	vadd.s32 $0xF42B80, v0  }
0xe2: {  	s22 =	sadd.s32 $0xB00, s19;
	(ifvalue) =	ssetifvalue $0x7FFFFFFF  }
0xe3: {  	[tilespmem:s22], [sflag:$0x1] =	stream.indirect_vreg.gather [hbm4b:s2+s13], $0x1, v2, vm0, $0x4038;
	[tilespmem:$0x2100] =	vst v63  }
0xe4: {  	(ifvalue) =	ssetifvalue $0x7FFFFFFF;
	v2 =	vadd.s32 $0x16E3C00, v0  }
0xe5: {  	s23 =	sadd.s32 $0xB80, s19;
	(ifvalue) =	ssetifvalue $0x7FFFFFFF  }
0xe6: {  	[tilespmem:s23], [sflag:$0x1] =	stream.indirect_vreg.gather [hbm4b:s2+s13], $0x1, v1, vm0, $0x4038;
	[tilespmem:$0x2100] =	vst v63  }
0xe7: {  	(ifvalue) =	ssetifvalue $0x7FFFFFFF;
	v1 =	vadd.s32 $0x16E3C80, v0  }
0xe8: {  	s24 =	sadd.s32 $0xC00, s19;
	(ifvalue) =	ssetifvalue $0x7FFFFFFF  }
0xe9: {  	[tilespmem:s24], [sflag:$0x1] =	stream.indirect_vreg.gather [hbm4b:s2+s13], $0x1, v2, vm0, $0x4038;
	[tilespmem:$0x2100] =	vst v63  }
0xea: {  	(ifvalue) =	ssetifvalue $0x7FFFFFFF;
	v2 =	vadd.s32 $0x16E3D00, v0  }
0xeb: {  	s25 =	sadd.s32 $0xC80, s19;
	(ifvalue) =	ssetifvalue $0x7FFFFFFF  }
0xec: {  	[tilespmem:s25], [sflag:$0x1] =	stream.indirect_vreg.gather [hbm4b:s2+s13], $0x1, v1, vm0, $0x4038;
	[tilespmem:$0x2100] =	vst v63  }
0xed: {  	(ifvalue) =	ssetifvalue $0x7FFFFFFF;
	v1 =	vadd.s32 $0x16E3D80, v0  }
0xee: {  	s26 =	sadd.s32 $0xD00, s19;
	(ifvalue) =	ssetifvalue $0x7FFFFFFF  }
0xef: {  	[tilespmem:s26], [sflag:$0x1] =	stream.indirect_vreg.gather [hbm4b:s2+s13], $0x1, v2, vm0, $0x4038;
	[tilespmem:$0x2100] =	vst v63  }
0xf0: {  	(ifvalue) =	ssetifvalue $0x7FFFFFFF;
	v2 =	vadd.s32 $0x16E3E00, v0  }
0xf1: {  	s28 =	sadd.s32 $0xD80, s19;
	(ifvalue) =	ssetifvalue $0x7FFFFFFF  }
0xf2: {  	[tilespmem:s28], [sflag:$0x1] =	stream.indirect_vreg.gather [hbm4b:s2+s13], $0x1, v1, vm0, $0x4038;
	[tilespmem:$0x2100] =	vst v63  }
0xf3: {  	(ifvalue) =	ssetifvalue $0x7FFFFFFF;
	v1 =	vadd.s32 $0x16E3E80, v0  }
0xf4: {  	s29 =	sadd.s32 $0xE00, s19;
	(ifvalue) =	ssetifvalue $0x7FFFFFFF  }
0xf5: {  	[tilespmem:s29], [sflag:$0x1] =	stream.indirect_vreg.gather [hbm4b:s2+s13], $0x1, v2, vm0, $0x4038;
	[tilespmem:$0x2100] =	vst v63  }
0xf6: {  	s31 =	sshll.u32 s14, $0xC;
	(ifvalue) =	ssetifvalue $0x7FFFFFFF;
	v2 =	vadd.s32 $0x16E3F00, v0  }
0xf7: {  	s30 =	sadd.s32 $0xE80, s19;
	s16 =	sand.u32 $0x1000, s31;
	(ifvalue) =	ssetifvalue $0x7FFFFFFF  }
0xf8: {  	[tilespmem:s30], [sflag:$0x1] =	stream.indirect_vreg.gather [hbm4b:s2+s13], $0x1, v1, vm0, $0x4038;
	[tilespmem:$0x2100] =	vst v63  }
0xf9: {  	s17 =	sor.u32 $0x100, s16;
	v0 =	vadd.s32 $0x16E3F80, v0;
	(ifvalue) =	ssetifvalue $0x7FFFFFFF  }
0xfa: {  	s18 =	sadd.s32 $0xF00, s19;
	s20 =	rddreg [dreg:$0x4];
	(ifvalue) =	ssetifvalue $0x7FFFFFFF  }
0xfb: {  	[tilespmem:s18], [sflag:$0x1] =	stream.indirect_vreg.gather [hbm4b:s2+s13], $0x1, v2, vm0, $0x4038;
	[tilespmem:$0x2100] =	vst v63  }
0xfc: {  	s19 =	sadd.s32 $0xF80, s19;
	s21 =	simm.s32 $0x10;
	(ifvalue) =	ssetifvalue $0x7FFFFFFF  }
0xfd: {  	s22 =	sadd.s32 $0x10, s20;
	s18 =	simm.s32 $0x80;
	(ifvalue) =	ssetifvalue $0x7FFFFFFF  }
.LBB2_3:
0xfe: {  	[tilespmem:s19], [sflag:$0x1] =	stream.indirect_vreg.gather [hbm4b:s2+s13], $0x1, v0, vm0, $0x4038;
	[tilespmem:$0x2100] =	vst v63  }
0xff: {  	v0 =	vld.msk [tilespmem:s22+$0x0 ss:$0x1], $0xffff;
	_ =	sdelay $0x4  }
0x100: {  	vm1 =	vgt.s32 v0, $0x0  }
0x101: {  	v0 =	vnsel vm1, $0x0, v0  }
0x102: {  	v0 =	vmin.u32 v0, $0xF423F  }
0x103: {  	v1 =	vshll.u32 v0, $0x3  }
0x104: {  	v0 =	vand.u32 $0x7F, v0;
	v1 =	vand.u32 $0x7FFC00, v1  }
0x105: {  	v0 =	vor.u32 v0, v1;
	_ =	sdelay $0x2  }
0x106: {  	(ifvalue) =	ssetifvalue $0x7FFFFFFF;
	s20 =	rddreg [dreg:$0x5];
	v1 =	vor.u32 $0x80, v0  }
0x107: {  	s20 =	sadd.s32 s21, s20;
	(ifvalue) =	ssetifvalue $0x7FFFFFFF  }
0x108: {  	[tilespmem:s20], [sflag:$0x1] =	stream.indirect_vreg.gather [hbm4b:s2+s13], $0x1, v0, vm0, $0x4038;
	[tilespmem:$0x2100] =	vst v63  }
0x109: {  	v2 =	vor.u32 $0x100, v0;
	(ifvalue) =	ssetifvalue $0x7FFFFFFF  }
0x10a: {  	s21 =	sadd.s32 $0x80, s20;
	(ifvalue) =	ssetifvalue $0x7FFFFFFF  }
0x10b: {  	[tilespmem:s21], [sflag:$0x1] =	stream.indirect_vreg.gather [hbm4b:s2+s13], $0x1, v1, vm0, $0x4038;
	[tilespmem:$0x2100] =	vst v63  }
0x10c: {  	v1 =	vor.u32 $0x180, v0;
	(ifvalue) =	ssetifvalue $0x7FFFFFFF  }
0x10d: {  	s29 =	sadd.s32 $0x100, s20;
	(ifvalue) =	ssetifvalue $0x7FFFFFFF  }
0x10e: {  	[tilespmem:s29], [sflag:$0x1] =	stream.indirect_vreg.gather [hbm4b:s2+s13], $0x1, v2, vm0, $0x4038;
	[tilespmem:$0x2100] =	vst v63  }
0x10f: {  	v2 =	vor.u32 $0x200, v0;
	(ifvalue) =	ssetifvalue $0x7FFFFFFF  }
0x110: {  	s30 =	sadd.s32 $0x180, s20;
	(ifvalue) =	ssetifvalue $0x7FFFFFFF  }
0x111: {  	[tilespmem:s30], [sflag:$0x1] =	stream.indirect_vreg.gather [hbm4b:s2+s13], $0x1, v1, vm0, $0x4038;
	[tilespmem:$0x2100] =	vst v63  }
0x112: {  	(ifvalue) =	ssetifvalue $0x7FFFFFFF;
	v1 =	vor.u32 $0x280, v0  }
0x113: {  	s31 =	sadd.s32 $0x200, s20;
	(ifvalue) =	ssetifvalue $0x7FFFFFFF  }
0x114: {  	[tilespmem:s31], [sflag:$0x1] =	stream.indirect_vreg.gather [hbm4b:s2+s13], $0x1, v2, vm0, $0x4038;
	[tilespmem:$0x2100] =	vst v63  }
0x115: {  	(ifvalue) =	ssetifvalue $0x7FFFFFFF;
	v2 =	vor.u32 $0x300, v0  }
0x116: {  	s22 =	sadd.s32 $0x280, s20;
	(ifvalue) =	ssetifvalue $0x7FFFFFFF  }
0x117: {  	[tilespmem:s22], [sflag:$0x1] =	stream.indirect_vreg.gather [hbm4b:s2+s13], $0x1, v1, vm0, $0x4038;
	[tilespmem:$0x2100] =	vst v63  }
0x118: {  	(ifvalue) =	ssetifvalue $0x7FFFFFFF;
	v1 =	vor.u32 $0x380, v0  }
0x119: {  	s23 =	sadd.s32 $0x300, s20;
	(ifvalue) =	ssetifvalue $0x7FFFFFFF  }
0x11a: {  	[tilespmem:s23], [sflag:$0x1] =	stream.indirect_vreg.gather [hbm4b:s2+s13], $0x1, v2, vm0, $0x4038;
	[tilespmem:$0x2100] =	vst v63  }
0x11b: {  	(ifvalue) =	ssetifvalue $0x7FFFFFFF;
	v2 =	vadd.s32 $0x7A1400, v0  }
0x11c: {  	s24 =	sadd.s32 $0x380, s20;
	(ifvalue) =	ssetifvalue $0x7FFFFFFF  }
0x11d: {  	[tilespmem:s24], [sflag:$0x1] =	stream.indirect_vreg.gather [hbm4b:s2+s13], $0x1, v1, vm0, $0x4038;
	[tilespmem:$0x2100] =	vst v63  }
0x11e: {  	(ifvalue) =	ssetifvalue $0x7FFFFFFF;
	v1 =	vadd.s32 $0x7A1480, v0  }
0x11f: {  	s25 =	sadd.s32 $0x400, s20;
	(ifvalue) =	ssetifvalue $0x7FFFFFFF  }
0x120: {  	[tilespmem:s25], [sflag:$0x1] =	stream.indirect_vreg.gather [hbm4b:s2+s13], $0x1, v2, vm0, $0x4038;
	[tilespmem:$0x2100] =	vst v63  }
0x121: {  	(ifvalue) =	ssetifvalue $0x7FFFFFFF;
	v2 =	vadd.s32 $0x7A1500, v0  }
0x122: {  	s26 =	sadd.s32 $0x480, s20;
	(ifvalue) =	ssetifvalue $0x7FFFFFFF  }
0x123: {  	[tilespmem:s26], [sflag:$0x1] =	stream.indirect_vreg.gather [hbm4b:s2+s13], $0x1, v1, vm0, $0x4038;
	[tilespmem:$0x2100] =	vst v63  }
0x124: {  	(ifvalue) =	ssetifvalue $0x7FFFFFFF;
	v1 =	vadd.s32 $0x7A1580, v0  }
0x125: {  	s28 =	sadd.s32 $0x500, s20;
	(ifvalue) =	ssetifvalue $0x7FFFFFFF  }
0x126: {  	[tilespmem:s28], [sflag:$0x1] =	stream.indirect_vreg.gather [hbm4b:s2+s13], $0x1, v2, vm0, $0x4038;
	[tilespmem:$0x2100] =	vst v63  }
0x127: {  	(ifvalue) =	ssetifvalue $0x7FFFFFFF;
	v2 =	vadd.s32 $0x7A1600, v0  }
0x128: {  	s29 =	sadd.s32 $0x580, s20;
	(ifvalue) =	ssetifvalue $0x7FFFFFFF  }
0x129: {  	[tilespmem:s29], [sflag:$0x1] =	stream.indirect_vreg.gather [hbm4b:s2+s13], $0x1, v1, vm0, $0x4038;
	[tilespmem:$0x2100] =	vst v63  }
0x12a: {  	(ifvalue) =	ssetifvalue $0x7FFFFFFF;
	v1 =	vadd.s32 $0x7A1680, v0  }
0x12b: {  	s30 =	sadd.s32 $0x600, s20;
	(ifvalue) =	ssetifvalue $0x7FFFFFFF  }
0x12c: {  	[tilespmem:s30], [sflag:$0x1] =	stream.indirect_vreg.gather [hbm4b:s2+s13], $0x1, v2, vm0, $0x4038;
	[tilespmem:$0x2100] =	vst v63  }
0x12d: {  	(ifvalue) =	ssetifvalue $0x7FFFFFFF;
	v2 =	vadd.s32 $0x7A1700, v0  }
0x12e: {  	s31 =	sadd.s32 $0x680, s20;
	(ifvalue) =	ssetifvalue $0x7FFFFFFF  }
0x12f: {  	[tilespmem:s31], [sflag:$0x1] =	stream.indirect_vreg.gather [hbm4b:s2+s13], $0x1, v1, vm0, $0x4038;
	[tilespmem:$0x2100] =	vst v63  }
0x130: {  	(ifvalue) =	ssetifvalue $0x7FFFFFFF;
	v1 =	vadd.s32 $0x7A1780, v0  }
0x131: {  	s22 =	sadd.s32 $0x700, s20;
	(ifvalue) =	ssetifvalue $0x7FFFFFFF  }
0x132: {  	[tilespmem:s22], [sflag:$0x1] =	stream.indirect_vreg.gather [hbm4b:s2+s13], $0x1, v2, vm0, $0x4038;
	[tilespmem:$0x2100] =	vst v63  }
0x133: {  	(ifvalue) =	ssetifvalue $0x7FFFFFFF;
	v2 =	vadd.s32 $0xF42800, v0  }
0x134: {  	s23 =	sadd.s32 $0x780, s20;
	(ifvalue) =	ssetifvalue $0x7FFFFFFF  }
0x135: {  	[tilespmem:s23], [sflag:$0x1] =	stream.indirect_vreg.gather [hbm4b:s2+s13], $0x1, v1, vm0, $0x4038;
	[tilespmem:$0x2100] =	vst v63  }
0x136: {  	(ifvalue) =	ssetifvalue $0x7FFFFFFF;
	v1 =	vadd.s32 $0xF42880, v0  }
0x137: {  	s24 =	sadd.s32 $0x800, s20;
	(ifvalue) =	ssetifvalue $0x7FFFFFFF  }
0x138: {  	[tilespmem:s24], [sflag:$0x1] =	stream.indirect_vreg.gather [hbm4b:s2+s13], $0x1, v2, vm0, $0x4038;
	[tilespmem:$0x2100] =	vst v63  }
0x139: {  	(ifvalue) =	ssetifvalue $0x7FFFFFFF;
	v2 =	vadd.s32 $0xF42900, v0  }
0x13a: {  	s25 =	sadd.s32 $0x880, s20;
	(ifvalue) =	ssetifvalue $0x7FFFFFFF  }
0x13b: {  	[tilespmem:s25], [sflag:$0x1] =	stream.indirect_vreg.gather [hbm4b:s2+s13], $0x1, v1, vm0, $0x4038;
	[tilespmem:$0x2100] =	vst v63  }
0x13c: {  	(ifvalue) =	ssetifvalue $0x7FFFFFFF;
	v1 =	vadd.s32 $0xF42980, v0  }
0x13d: {  	s26 =	sadd.s32 $0x900, s20;
	(ifvalue) =	ssetifvalue $0x7FFFFFFF  }
0x13e: {  	[tilespmem:s26], [sflag:$0x1] =	stream.indirect_vreg.gather [hbm4b:s2+s13], $0x1, v2, vm0, $0x4038;
	[tilespmem:$0x2100] =	vst v63  }
0x13f: {  	(ifvalue) =	ssetifvalue $0x7FFFFFFF;
	v2 =	vadd.s32 $0xF42A00, v0  }
0x140: {  	s28 =	sadd.s32 $0x980, s20;
	(ifvalue) =	ssetifvalue $0x7FFFFFFF  }
0x141: {  	[tilespmem:s28], [sflag:$0x1] =	stream.indirect_vreg.gather [hbm4b:s2+s13], $0x1, v1, vm0, $0x4038;
	[tilespmem:$0x2100] =	vst v63  }
0x142: {  	(ifvalue) =	ssetifvalue $0x7FFFFFFF;
	v1 =	vadd.s32 $0xF42A80, v0  }
0x143: {  	s29 =	sadd.s32 $0xA00, s20;
	(ifvalue) =	ssetifvalue $0x7FFFFFFF  }
0x144: {  	[tilespmem:s29], [sflag:$0x1] =	stream.indirect_vreg.gather [hbm4b:s2+s13], $0x1, v2, vm0, $0x4038;
	[tilespmem:$0x2100] =	vst v63  }
0x145: {  	(ifvalue) =	ssetifvalue $0x7FFFFFFF;
	v2 =	vadd.s32 $0xF42B00, v0  }
0x146: {  	s30 =	sadd.s32 $0xA80, s20;
	(ifvalue) =	ssetifvalue $0x7FFFFFFF  }
0x147: {  	[tilespmem:s30], [sflag:$0x1] =	stream.indirect_vreg.gather [hbm4b:s2+s13], $0x1, v1, vm0, $0x4038;
	[tilespmem:$0x2100] =	vst v63  }
0x148: {  	(ifvalue) =	ssetifvalue $0x7FFFFFFF;
	v1 =	vadd.s32 $0xF42B80, v0  }
0x149: {  	s31 =	sadd.s32 $0xB00, s20;
	(ifvalue) =	ssetifvalue $0x7FFFFFFF  }
0x14a: {  	[tilespmem:s31], [sflag:$0x1] =	stream.indirect_vreg.gather [hbm4b:s2+s13], $0x1, v2, vm0, $0x4038;
	[tilespmem:$0x2100] =	vst v63  }
0x14b: {  	(ifvalue) =	ssetifvalue $0x7FFFFFFF;
	v2 =	vadd.s32 $0x16E3C00, v0  }
0x14c: {  	s22 =	sadd.s32 $0xB80, s20;
	(ifvalue) =	ssetifvalue $0x7FFFFFFF  }
0x14d: {  	[tilespmem:s22], [sflag:$0x1] =	stream.indirect_vreg.gather [hbm4b:s2+s13], $0x1, v1, vm0, $0x4038;
	[tilespmem:$0x2100] =	vst v63  }
0x14e: {  	(ifvalue) =	ssetifvalue $0x7FFFFFFF;
	v1 =	vadd.s32 $0x16E3C80, v0  }
0x14f: {  	s23 =	sadd.s32 $0xC00, s20;
	(ifvalue) =	ssetifvalue $0x7FFFFFFF  }
0x150: {  	[tilespmem:s23], [sflag:$0x1] =	stream.indirect_vreg.gather [hbm4b:s2+s13], $0x1, v2, vm0, $0x4038;
	[tilespmem:$0x2100] =	vst v63  }
0x151: {  	(ifvalue) =	ssetifvalue $0x7FFFFFFF;
	v2 =	vadd.s32 $0x16E3D00, v0  }
0x152: {  	s24 =	sadd.s32 $0xC80, s20;
	(ifvalue) =	ssetifvalue $0x7FFFFFFF  }
0x153: {  	[tilespmem:s24], [sflag:$0x1] =	stream.indirect_vreg.gather [hbm4b:s2+s13], $0x1, v1, vm0, $0x4038;
	[tilespmem:$0x2100] =	vst v63  }
0x154: {  	(ifvalue) =	ssetifvalue $0x7FFFFFFF;
	v1 =	vadd.s32 $0x16E3D80, v0  }
0x155: {  	s25 =	sadd.s32 $0xD00, s20;
	(ifvalue) =	ssetifvalue $0x7FFFFFFF  }
0x156: {  	[tilespmem:s25], [sflag:$0x1] =	stream.indirect_vreg.gather [hbm4b:s2+s13], $0x1, v2, vm0, $0x4038;
	[tilespmem:$0x2100] =	vst v63  }
0x157: {  	(ifvalue) =	ssetifvalue $0x7FFFFFFF;
	v2 =	vadd.s32 $0x16E3E00, v0  }
0x158: {  	s26 =	sadd.s32 $0xD80, s20;
	(ifvalue) =	ssetifvalue $0x7FFFFFFF  }
0x159: {  	[tilespmem:s26], [sflag:$0x1] =	stream.indirect_vreg.gather [hbm4b:s2+s13], $0x1, v1, vm0, $0x4038;
	[tilespmem:$0x2100] =	vst v63  }
0x15a: {  	(ifvalue) =	ssetifvalue $0x7FFFFFFF;
	v1 =	vadd.s32 $0x16E3E80, v0  }
0x15b: {  	s28 =	sadd.s32 $0xE00, s20;
	(ifvalue) =	ssetifvalue $0x7FFFFFFF  }
0x15c: {  	[tilespmem:s28], [sflag:$0x1] =	stream.indirect_vreg.gather [hbm4b:s2+s13], $0x1, v2, vm0, $0x4038;
	[tilespmem:$0x2100] =	vst v63  }
0x15d: {  	(ifvalue) =	ssetifvalue $0x7FFFFFFF;
	v2 =	vadd.s32 $0x16E3F00, v0  }
0x15e: {  	p1 =	sne.s32 s18, $0x1C0;
	s29 =	sadd.s32 $0xE80, s20;
	(ifvalue) =	ssetifvalue $0x7FFFFFFF  }
0x15f: {  	[tilespmem:s29], [sflag:$0x1] =	stream.indirect_vreg.gather [hbm4b:s2+s13], $0x1, v1, vm0, $0x4038;
	[tilespmem:$0x2100] =	vst v63  }
.Ltmp3:
0x160: {  	s19 =	smov.u32 s18;
	(ifvalue) =	ssetifvalue $0x7FFFFFFF;
	(pc) =	sbr.rel @p1 .LBB2_3-.Ltmp3, $4  }
0x161: {  	s31 =	sadd.s32 $0xF00, s20;
	s30 =	rddreg [dreg:$0x4];
	(ifvalue) =	ssetifvalue $0x7FFFFFFF  }
0x162: {  	[tilespmem:s31], [sflag:$0x1] =	stream.indirect_vreg.gather [hbm4b:s2+s13], $0x1, v2, vm0, $0x4038;
	[tilespmem:$0x2100] =	vst v63  }
0x163: {  	s18 =	sadd.s32 $0x40, s18;
	s21 =	sshra.s32 s19, $0x2;
	(ifvalue) =	ssetifvalue $0x7FFFFFFF  }
0x164: {  	s19 =	sadd.s32 $0xF80, s20;
	v0 =	vadd.s32 $0x16E3F80, v0;
	s22 =	sadd.s32 s21, s30;
	(ifvalue) =	ssetifvalue $0x7FFFFFFF  }
.Ltmp4:
0x165: {  	_ = 	snop;
	(pc) =	sbr.rel .LBB2_4-.Ltmp4, $1  }
0x166: {  	_ =	sdelay $0x3  }
.LBB2_6:
0x167: {  	_ =	sfence.sel $0x180000  }
0x168: {  	s2 =	simm.s32 $0x2;
	[bflag:$0x0] =	sbarrier.arrive $0xFFFF  }
0x169: {  	s30 =	simm.s32 $0x3;
	[sflag:s2] =	ssyncpa.u1 $0x1  }
0x16a: {  	s31 =	simm.s32 $0x1;
	[sflag:s30] =	ssyncpa.u1 $0x1  }
0x16b: {  	[sflag:s31] =	ssyncpa.u1 $0x1  }
0x16c: {  	p0 =	sne.s32 s1, $0x0;
	_ =	strace $0x90000053  }
0x16d: {  	s0 =	sadd.s32 @!p0 $0x100000, s0;
	[bflag:$0x2] =	sbarrier.arrive $0xFFFF  }
0x16e: {  	[sflag:s0] =	ssyncadd.tile.s32 @!p0 $0x1;
	_ =	shalt  }
.Lfunc_end2:
_tile_overlayer_lowered:
.L_overlay_start_2:
0x16f: {  	(tag) =	ssettag $0x2  }
0x170: {  	s0 =	rddreg [dreg:$0x0];
	s2 =	stileid.u32  }
0x171: {  	s1 =	rddreg [dreg:$0x1];
	p0 =	sne.s32 s2, $0x0  }
0x172: {  	s3 =	rddreg [dreg:$0x2];
	[bflag:$0x3] =	sbarrier.arrive $0xFFFF;
	s2 =	simm.s32 @!p0 $0x1C01  }
0x173: {  	[timem:s3], [sflag:s2] =	dma.local @!p0 [hbm:s0], s1  }
0x174: {  	s0 =	simm.s32 @!p0 $0x1  }
0x175: {  	_ =	swait.ge @!p0 [sflag:s0], s1  }
0x176: {  	s1 =	ssub.s32 @!p0 $0x0, s1;
	[sflag:s0] =	ssyncset.done @!p0 $0x0  }
0x177: {  	[sflag:s0] =	ssyncadd.s32 @!p0 s1  }
0x178: {  	[bflag:$0x3] =	sbarrier.arrive $0xFFFF  }
0x179: {  	_ =	shalt  }

// kernel: kernel.4.cloned.1.call-start
scs
__scs_entry_jumppad:
0x0: {  	(pc) =	sbr.rel $0x88, $3  }
0x1: {  	(tag) =	ssettag $0x0;
	lr =	simm.s32 $0x1  }
0x2: {  	[smem:$0x3F9B] =	sst lr;
	_ =	strace $0xD0000000  }
0x3: {  	_ = 	snop  }
0x4: {  	_ = 	snop  }
0x5: {  	_ = 	snop  }
0x6: {  	_ = 	snop  }
0x7: {  	_ = 	snop  }
__scs_overlays_trampoline_lowered:
0x8: {  	[smem:$0x3FAA] =	sst s0  }
0x9: {  	[smem:$0x3FAB] =	sst s1  }
0xa: {  	[smem:$0x3FAC] =	sst s2  }
0xb: {  	[smem:$0x3FAD] =	sst s3  }
0xc: {  	[smem:$0x3FAE] =	sst s4  }
0xd: {  	[smem:$0x3FAF] =	sst s5  }
0xe: {  	[smem:$0x3FB0] =	sst s6  }
0xf: {  	[smem:$0x3FB1] =	sst s7  }
0x10: {  	[smem:$0x3FB2] =	sst s8  }
0x11: {  	[smem:$0x3FB3] =	sst s9;
	s0 =	simm.s32 @!p0 $0x0  }
0x12: {  	s1 =	sld [smem:$0x3F99];
	s0 =	simm.s32 @p0 $0x1  }
0x13: {  	[smem:$0x3FB4] =	sst s0;
	s0 =	simm.s32 @!p1 $0x0  }
0x14: {  	s2 =	sld [smem:$0x3F98];
	s0 =	simm.s32 @p1 $0x1  }
0x15: {  	[smem:$0x3FB5] =	sst s0;
	s0 =	simm.s32 @!p2 $0x0  }
0x16: {  	s3 =	sld [smem:$0x3FDB];
	s0 =	simm.s32 @p2 $0x1  }
0x17: {  	s4 =	simm.s32 $0x1BF5;
	[smem:$0x3FB7] =	sst s0  }
0x18: {  	s0 =	sld [smem:$0x3F9A];
	_ =	swait.ge [sflag:s4], $0x0  }
0x19: {  	s7 =	sld [smem:$0x3F9B]  }
0x1a: {  	s8 =	sadd.s32 $0xFFFFE003, lr  }
0x1b: {  	s9 =	sadd.s32 $0xFFFFFEF7, lr;
	s5 =	simm.s32 $0xFFFFFFFF;
	p2 =	slt.u32 s8, $0xFFFFF086  }
0x1c: {  	p1 =	slt.u32 s9, $0xF7A;
	s5 =	simm.s32 @!p2 $0x0  }
0x1d: {  	s5 =	simm.s32 @p1 $0x1;
	p0 =	seq.s32 s7, s2  }
0x1e: {  	s7 =	smul.u32 @!p0 $0xF7A, s2;
	p2 =	seq.s32 @!p0 s5, $0x0  }
0x1f: {  	s9 =	smul.u32 $0xF7A, s1;
	s8 =	simm.s32 @!p0 $0x1BF5;
	p2 =	por !p2, p0  }
0x20: {  	[sflag:s8] =	ssyncset.s32 @!p0 $0xFFFFF086;
	s6 =	sadd.s32 @!p0 s3, s7;
	s7 =	simm.s32 @!p0 $0x108  }
0x21: {  	s3 =	sadd.s32 s3, s9;
	s6 =	sadd.s32 @!p0 $0x88, s6;
	s7 =	simm.s32 @p2 $0x1082  }
0x22: {  	[simem:s7], [sflag:s8] =	dma.local @!p0 [hbm:s6], $0xF7A  }
0x23: {  	s9 =	sor.u32 $0xD0000000, s2;
	s6 =	simm.s32 $0x108;
	_ =	swait.ge @!p0 [sflag:s8], $0x0  }
0x24: {  	s3 =	sadd.s32 $0x88, s3;
	s6 =	simm.s32 @!p1 $0x1082;
	[sflag:s4] =	ssyncset.s32 $0xFFFFF086  }
0x25: {  	[simem:s6], [sflag:s4] =	dma.local [hbm:s3], $0xF7A  }
0x26: {  	[smem:$0x3F9B] =	sst s1;
	(tag) =	ssettag s2;
	_ =	strace s9  }
0x27: {  	s1 =	sld [smem:$0x3FAB]  }
0x28: {  	s2 =	sld [smem:$0x3FAC]  }
0x29: {  	s4 =	sld [smem:$0x3FAE]  }
0x2a: {  	p0 =	seq.s32 s5, $0x0;
	s5 =	sld [smem:$0x3FAF]  }
0x2b: {  	s6 =	sld [smem:$0x3FB0]  }
0x2c: {  	s7 =	sld [smem:$0x3FB1]  }
0x2d: {  	s3 =	simm.s32 $0x108;
	s8 =	sld [smem:$0x3FB2]  }
0x2e: {  	s3 =	simm.s32 @!p0 $0x1082;
	s9 =	sld [smem:$0x3FB3]  }
0x2f: {  	lr =	sadd.s32 s0, s3;
	s0 =	sld [smem:$0x3FAA]  }
0x30: {  	s3 =	sld [smem:$0x3FAD]  }
0x31: {  	[smem:$0x3FB6] =	sst s10  }
0x32: {  	s10 =	sld [smem:$0x3FB4];
	_ =	sdelay $0x3  }
0x33: {  	p0 =	seq.s32 s10, $0x1;
	s10 =	sld [smem:$0x3FB6];
	_ =	sdelay $0x3  }
0x34: {  	[smem:$0x3FB6] =	sst s10  }
0x35: {  	s10 =	sld [smem:$0x3FB5];
	_ =	sdelay $0x3  }
0x36: {  	p1 =	seq.s32 s10, $0x1;
	s10 =	sld [smem:$0x3FB6];
	_ =	sdelay $0x3  }
0x37: {  	[smem:$0x3FB6] =	sst s10  }
0x38: {  	s10 =	sld [smem:$0x3FB7]  }
0x39: {  	_ = 	snop;
	(pc) =	sbr.ind lr, $3  }
0x3a: {  	_ = 	snop  }
0x3b: {  	_ = 	snop  }
0x3c: {  	p2 =	seq.s32 s10, $0x1;
	s10 =	sld [smem:$0x3FB6]  }
0x3d: {  	_ =	shalt  }
0x3e: {  	_ =	shalt  }
0x3f: {  	_ =	shalt  }
0x40: {  	_ =	shalt  }
0x41: {  	_ =	shalt  }
0x42: {  	_ =	shalt  }
0x43: {  	_ =	shalt  }
0x44: {  	_ =	shalt  }
0x45: {  	_ =	shalt  }
0x46: {  	_ =	shalt  }
0x47: {  	_ =	shalt  }
0x48: {  	_ =	shalt  }
0x49: {  	_ =	shalt  }
0x4a: {  	_ =	shalt  }
0x4b: {  	_ =	shalt  }
0x4c: {  	_ =	shalt  }
0x4d: {  	_ =	shalt  }
0x4e: {  	_ =	shalt  }
0x4f: {  	_ =	shalt  }
0x50: {  	_ =	shalt  }
0x51: {  	_ =	shalt  }
0x52: {  	_ =	shalt  }
0x53: {  	_ =	shalt  }
0x54: {  	_ =	shalt  }
0x55: {  	_ =	shalt  }
0x56: {  	_ =	shalt  }
0x57: {  	_ =	shalt  }
0x58: {  	_ =	shalt  }
0x59: {  	_ =	shalt  }
0x5a: {  	_ =	shalt  }
0x5b: {  	_ =	shalt  }
0x5c: {  	_ =	shalt  }
0x5d: {  	_ =	shalt  }
0x5e: {  	_ =	shalt  }
0x5f: {  	_ =	shalt  }
0x60: {  	_ =	shalt  }
0x61: {  	_ =	shalt  }
0x62: {  	_ =	shalt  }
0x63: {  	_ =	shalt  }
0x64: {  	_ =	shalt  }
0x65: {  	_ =	shalt  }
0x66: {  	_ =	shalt  }
0x67: {  	_ =	shalt  }
0x68: {  	_ =	shalt  }
0x69: {  	_ =	shalt  }
0x6a: {  	_ =	shalt  }
0x6b: {  	_ =	shalt  }
0x6c: {  	_ =	shalt  }
0x6d: {  	_ =	shalt  }
0x6e: {  	_ =	shalt  }
0x6f: {  	_ =	shalt  }
0x70: {  	_ =	shalt  }
0x71: {  	_ =	shalt  }
0x72: {  	_ =	shalt  }
0x73: {  	_ =	shalt  }
0x74: {  	_ =	shalt  }
0x75: {  	_ =	shalt  }
0x76: {  	_ =	shalt  }
0x77: {  	_ =	shalt  }
0x78: {  	_ =	shalt  }
0x79: {  	_ =	shalt  }
0x7a: {  	_ =	shalt  }
0x7b: {  	_ =	shalt  }
0x7c: {  	_ =	shalt  }
0x7d: {  	_ =	shalt  }
0x7e: {  	_ =	shalt  }
0x7f: {  	_ =	shalt  }
0x80: {  	_ =	shalt  }
0x81: {  	_ =	shalt  }
0x82: {  	_ =	shalt  }
0x83: {  	_ =	shalt  }
0x84: {  	_ =	shalt  }
0x85: {  	_ =	shalt  }
0x86: {  	_ =	shalt  }
0x87: {  	_ =	shalt  }
.Lfunc_end0:
.L_simem_size_0:
called_computation.4_lowered:
.L_overlay_start_0:
0x88: {  	s2 =	sld [smem:$0x3FD9]  }
0x89: {  	s3 =	sld [smem:$0x3FFE];
	_ =	sdelay $0x1  }
0x8a: {  	s1 =	srdreg.scid  }
0x8b: {  	s0 =	sand.u32 $0x1, s1  }
0x8c: {  	s16 =	sshll.u32 s0, $0xA;
	s2 =	sadd.s32 s3, s2  }
0x8d: {  	s2 =	sadd.s32 s2, s16  }
0x8e: {  	[smem:$0x3FC2] =	sst s2  }
0x8f: {  	_ = 	snop  }
0x90: {  	(tm) =	ssettm $0x1  }
0x91: {  	s17 =	sld [smem:$0x3FFB];
	_ =	sdelay $0x3  }
0x92: {  	_ =	strace s17  }
0x93: {  	s2 =	sld [smem:$0x3FFC];
	_ =	sdelay $0x3  }
0x94: {  	_ =	strace s2  }
0x95: {  	s2 =	sld [smem:$0x3FFD];
	_ =	sdelay $0x3  }
0x96: {  	_ =	strace s2  }
0x97: {  	_ =	strace $0x8FFFFFFF  }
0x98: {  	s18 =	sld [smem:$0x3FDB];
	_ =	sdelay $0x1  }
0x99: {  	s19 =	simm.s32 $_scs_section_size  }
0x9a: {  	s4 =	simm.s32 $_size__tile_overlayer_lowered;
	s5 =	simm.s32 $_tile_overlayer_lowered  }
0x9b: {  	s22 =	simm.s32 $0x1BFF;
	s21 =	sshll.u32 s5, $0x1;
	s2 =	sadd.s32 s19, s18  }
0x9c: {  	s6 =	simm.s32 $0x0;
	s20 =	sshll.u32 s4, $0x1;
	s4 =	sadd.s32 s21, s2  }
0x9d: {  	[timem:s6], [sflag:s22] =	dma.local [hbm:s4], s20  }
0x9e: {  	_ =	swait.ge [sflag:s22], s20  }
0x9f: {  	s3 =	ssub.s32 $0x0, s20;
	[sflag:s22] =	ssyncset.done $0x0  }
0xa0: {  	[sflag:s22] =	ssyncadd.s32 s3;
	_ =	sdelay $0x1  }
0xa1: {  	s23 =	simm.s32 $0x1B8B  }
0xa2: {  	_ =	swait.ge [sflag:s23], $0x1  }
0xa3: {  	[sflag:s23] =	ssyncset.done $0x0  }
0xa4: {  	s25 =	simm.s32 $0x1B8E;
	s24 =	sld [smem:$0x3FFE];
	[sflag:s23] =	ssyncadd.s32 $0xFFFFFFFF  }
0xa5: {  	s26 =	simm.s32 $execute0_lowered;
	[smem:$0x3FD2] =	sst s25  }
0xa6: {  	s4 =	sshll.u32 s26, $0x1;
	_ =	strace $0x8000004C;
	[dreg:$0x1] =	wrdreg $0xFFFFFFFF  }
0xa7: {  	s28 =	simm.s32 $_size_execute0_lowered;
	s2 =	sadd.s32 s2, s4;
	[dreg:$0x0] =	wrdreg $0x0  }
0xa8: {  	s4 =	sshll.u32 s28, $0x1;
	[dreg:$0x2] =	wrdreg s2  }
0xa9: {  	[dreg:$0x3] =	wrdreg s4  }
0xaa: {  	[dreg:$0x4] =	wrdreg $0xC0  }
0xab: {  	_ =	task [dreg:s6], $0x5FFFF  }
0xac: {  	[dreg:$0x1] =	wrdreg $0xFFFFFFFF  }
0xad: {  	[dreg:$0x0] =	wrdreg $0x60  }
0xae: {  	[dreg:$0x2] =	wrdreg s24  }
0xaf: {  	[dreg:$0x3] =	wrdreg $0xB  }
0xb0: {  	_ =	task.clear_ibuf [dreg:s6], $0x4FFFF;
	_ =	strace $0x9000004C  }
0xb1: {  	s29 =	simm.s32 $0xB;
	_ =	strace $0x8000004E  }
0xb2: {  	_ =	swait.ge [sflag:s29], $0x1  }
0xb3: {  	[sflag:s29] =	ssyncadd.s32 $0xFFFFFFFF  }
0xb4: {  	_ =	strace $0x9000004E  }
0xb5: {  	_ =	sfence  }
0xb6: {  	s30 =	sld [smem:$0x0];
	_ =	sdelay $0x2  }
0xb7: {  	s31 =	sshll.u32 s1, $0xD;
	s1 =	sshrl.u32 s1, $0x2  }
0xb8: {  	s3 =	sand.u32 $0x4000, s31;
	s1 =	sadd.s32 s1, s30  }
0xb9: {  	s0 =	sor.u32 s3, s0;
	s1 =	sshll.u32 s1, $0x11  }
0xba: {  	s0 =	sor.u32 s1, s0  }
0xbb: {  	s0 =	sadd.s32 $0x8F2B, s0  }
0xbc: {  	[sflag:s0] =	ssyncadd.remote.s32 $0x1  }
0xbd: {  	_ =	sfence.sel $0xFFFF  }
0xbe: {  	[dreg:$0x0] =	wrdreg $0xFFFFFFFF;
	(pc) =	sbr.abs _section_cstart, $3  }
0xbf: {  	[dreg:$0x1] =	wrdreg $0xFFFFFFFF  }
0xc0: {  	_ =	task.clear_ibuf [dreg:s6], $0x2FFFF;
	_ =	strace $0x9FFFFFFF  }
0xc1: {  	(tm) =	ssettm $0x7FFFFFFF  }
tec
execute0_lowered:
.L_overlay_start_1:
0x0: {  	(tag) =	ssettag $0x1  }
0x1: {  	s0 =	srdreg.scid  }
0x2: {  	s1 =	stileid.u32;
	s4 =	sand.u32 $0x1, s0  }
0x3: {  	s5 =	sshll.u32 s1, $0x5;
	s6 =	sshll.u32 s4, $0x4;
	s4 =	ssub.s32 $0x2, s4  }
0x4: {  	s3 =	rddreg [dreg:$0x0];
	s5 =	sor.u32 s6, s5;
	s31 =	sshrl.u32 s4, $0x1  }
0x5: {  	s3 =	sadd.s32 s5, s3;
	s5 =	ssub.s32 s4, s31  }
0x6: {  	s9 =	smax.u32 s5, $0x1  }
0x7: {  	p1 =	sne.s32 s9, $0x1  }
.Ltmp0:
0x8: {  	s2 =	simm.s32 $0x0;
	(pc) =	sbr.rel @!p1 .LBB2_3-.Ltmp0, $4  }
0x9: {  	s8 =	simm.s32 $0x80;
	[smem:$0x7FF] =	sst s2  }
0xa: {  	p0 =	por $0x0, $0x0;
	s0 =	rddreg [dreg:$0x1];
	_ =	strace $0x8000004D  }
0xb: {  	s7 =	sadd.s32 $0x2200, s3;
	s6 =	sadd.s32 $0x2400, s3;
	s4 =	sadd.s32 $0x1E00, s3  }
0xc: {  	s3 =	simm.s32 $0x1;
	s5 =	simm.s32 $0x100;
	s9 =	sadd.s32 $0xFFFFFFFF, s9  }
0xd: {  	[tilespmem:s2], [sflag:$0x1] =	stream.linear.gather [hbm4b:s7+s2], $0x80, $0x38;
	[tilespmem:$0x180] =	vst v63  }
0xe: {  	_ =	swait.ge [sflag:s3], $0x80  }
0xf: {  	[sflag:s3] =	ssyncset.done $0x0  }
0x10: {  	[sflag:s3] =	ssyncadd.s32 $0xFFFFFF80  }
0x11: {  	[tilespmem:s8], [sflag:$0x1] =	stream.linear.gather [hbm4b:s6+s2], $0x80, $0x38;
	[tilespmem:$0x180] =	vst v63  }
0x12: {  	_ =	swait.ge [sflag:s3], $0x80  }
0x13: {  	[sflag:s3] =	ssyncset.done $0x0  }
0x14: {  	[sflag:s3] =	ssyncadd.s32 $0xFFFFFF80  }
0x15: {  	v0 =	vld [tilespmem:$0xC0]  }
0x16: {  	v1 =	vld [tilespmem:$0xF0]  }
0x17: {  	v2 =	vld [tilespmem:$0x70]  }
0x18: {  	v3 =	vld [tilespmem:$0xD0]  }
0x19: {  	v4 =	vld [tilespmem:$0x50]  }
0x1a: {  	v5 =	vld [tilespmem:$0xB0]  }
0x1b: {  	v6 =	vld [tilespmem:$0xE0]  }
0x1c: {  	v7 =	vld [tilespmem:$0x40]  }
0x1d: {  	v8 =	vld [tilespmem:$0x90]  }
0x1e: {  	v9 =	vld [tilespmem:$0x20]  }
0x1f: {  	v10 =	vld [tilespmem:$0x30]  }
0x20: {  	v11 =	vld [tilespmem:$0xA0]  }
0x21: {  	v62 =	vld [tilespmem:$0x10]  }
0x22: {  	v63 =	vld [tilespmem:$0x80];
	v1 =	vadd.f32 v1, v2  }
0x23: {  	v2 =	vld [tilespmem:$0x60];
	v3 =	vadd.f32 v3, v4  }
0x24: {  	v0 =	vadd.f32 v0, v7;
	[tilespmem:$0x170] =	vst v1;
	v1 =	vld [tilespmem:$0x0]  }
0x25: {  	p1 =	sne.s32 s9, $0x1;
	[tilespmem:$0x150] =	vst v3;
	v3 =	vadd.f32 v5, v10  }
.Ltmp1:
0x26: {  	[tilespmem:$0x140] =	vst v0;
	v0 =	vadd.f32 v11, v9;
	(pc) =	sbr.rel @!p1 .LBB2_3-.Ltmp1, $4  }
0x27: {  	[tilespmem:$0x130] =	vst v3;
	v3 =	vadd.f32 v8, v62  }
0x28: {  	[tilespmem:$0x120] =	vst v0;
	v2 =	vadd.f32 v6, v2  }
0x29: {  	[tilespmem:$0x110] =	vst v3;
	v0 =	vadd.f32 v63, v1  }
0x2a: {  	s9 =	sadd.s32 $0xFFFFFFFF, s9;
	p0 =	por $0x1, $0x1;
	[tilespmem:$0x160] =	vst v2  }
.LBB2_2:
0x2b: {  	p1 =	sne.s32 s9, $0x1;
	s9 =	sadd.s32 $0xFFFFFFFF, s9;
	[tilespmem:$0x100] =	vst v0  }
0x2c: {  	[hbm4b:s4+s2] =	stream.linear.scatter [tilespmem:s5], [sflag:$0x1], $0x80, $0x38;
	[tilespmem:$0x180] =	vst v63  }
0x2d: {  	_ =	swait.ge [sflag:s3], $0x80  }
0x2e: {  	[sflag:s3] =	ssyncset.done $0x0  }
0x2f: {  	[sflag:s3] =	ssyncadd.s32 $0xFFFFFF80  }
0x30: {  	[tilespmem:s2], [sflag:$0x1] =	stream.linear.gather [hbm4b:s7+s2], $0x80, $0x38;
	[tilespmem:$0x180] =	vst v63  }
0x31: {  	_ =	swait.ge [sflag:s3], $0x80  }
0x32: {  	[sflag:s3] =	ssyncset.done $0x0  }
0x33: {  	[sflag:s3] =	ssyncadd.s32 $0xFFFFFF80  }
0x34: {  	[tilespmem:s8], [sflag:$0x1] =	stream.linear.gather [hbm4b:s6+s2], $0x80, $0x38;
	[tilespmem:$0x180] =	vst v63  }
0x35: {  	_ =	swait.ge [sflag:s3], $0x80  }
0x36: {  	[sflag:s3] =	ssyncset.done $0x0  }
0x37: {  	[sflag:s3] =	ssyncadd.s32 $0xFFFFFF80  }
0x38: {  	v0 =	vld [tilespmem:$0xC0]  }
0x39: {  	v1 =	vld [tilespmem:$0xF0]  }
0x3a: {  	v2 =	vld [tilespmem:$0x70]  }
0x3b: {  	v3 =	vld [tilespmem:$0xD0]  }
0x3c: {  	v4 =	vld [tilespmem:$0x50]  }
0x3d: {  	v5 =	vld [tilespmem:$0xB0]  }
0x3e: {  	v6 =	vld [tilespmem:$0xE0]  }
0x3f: {  	v7 =	vld [tilespmem:$0x40];
	v1 =	vadd.f32 v1, v2  }
0x40: {  	v2 =	vld [tilespmem:$0x90]  }
0x41: {  	v8 =	vld [tilespmem:$0x20];
	v3 =	vadd.f32 v3, v4;
	[tilespmem:$0x170] =	vst v1  }
0x42: {  	v1 =	vld [tilespmem:$0x0]  }
0x43: {  	v4 =	vld [tilespmem:$0x30];
	[tilespmem:$0x150] =	vst v3  }
0x44: {  	v3 =	vld [tilespmem:$0xA0];
	v0 =	vadd.f32 v0, v7  }
0x45: {  	v7 =	vld [tilespmem:$0x60]  }
0x46: {  	v9 =	vld [tilespmem:$0x10];
	[tilespmem:$0x140] =	vst v0  }
0x47: {  	v0 =	vld [tilespmem:$0x80]  }
0x48: {  	v4 =	vadd.f32 v5, v4  }
.Ltmp2:
0x49: {  	v3 =	vadd.f32 v3, v8;
	(pc) =	sbr.rel @p1 .LBB2_2-.Ltmp2, $4  }
0x4a: {  	[tilespmem:$0x130] =	vst v4;
	v4 =	vadd.f32 v6, v7  }
0x4b: {  	v2 =	vadd.f32 v2, v9;
	[tilespmem:$0x120] =	vst v3  }
0x4c: {  	v0 =	vadd.f32 v0, v1;
	[tilespmem:$0x160] =	vst v4  }
0x4d: {  	[tilespmem:$0x110] =	vst v2  }
.LBB2_3:
0x4e: {  	[tilespmem:$0x100] =	vst @p0 v0  }
0x4f: {  	[hbm4b:s4+s2] =	stream.linear.scatter @p0 [tilespmem:s5], [sflag:$0x1], $0x80, $0x38;
	[tilespmem:$0x180] =	vst v63  }
0x50: {  	_ =	swait.ge @p0 [sflag:s3], $0x80  }
0x51: {  	[sflag:s3] =	ssyncset.done @p0 $0x0  }
0x52: {  	[sflag:s3] =	ssyncadd.s32 @p0 $0xFFFFFF80  }
0x53: {  	[tilespmem:s2], [sflag:$0x1] =	stream.linear.gather [hbm4b:s7+s2], $0x80, $0x38;
	[tilespmem:$0x180] =	vst v63  }
0x54: {  	_ =	swait.ge [sflag:s3], $0x80  }
0x55: {  	[sflag:s3] =	ssyncset.done $0x0  }
0x56: {  	[sflag:s3] =	ssyncadd.s32 $0xFFFFFF80  }
0x57: {  	[tilespmem:s8], [sflag:$0x1] =	stream.linear.gather [hbm4b:s6+s2], $0x80, $0x38;
	[tilespmem:$0x180] =	vst v63  }
0x58: {  	_ =	swait.ge [sflag:s3], $0x80  }
0x59: {  	[sflag:s3] =	ssyncset.done $0x0  }
0x5a: {  	[sflag:s3] =	ssyncadd.s32 $0xFFFFFF80  }
0x5b: {  	v56 =	vld [tilespmem:$0xC0]  }
0x5c: {  	v1 =	vld [tilespmem:$0xF0]  }
0x5d: {  	v2 =	vld [tilespmem:$0x70]  }
0x5e: {  	v3 =	vld [tilespmem:$0xD0]  }
0x5f: {  	v4 =	vld [tilespmem:$0x50]  }
0x60: {  	v5 =	vld [tilespmem:$0xB0]  }
0x61: {  	v6 =	vld [tilespmem:$0xE0]  }
0x62: {  	v7 =	vld [tilespmem:$0x40]  }
0x63: {  	v8 =	vld [tilespmem:$0x90]  }
0x64: {  	v9 =	vld [tilespmem:$0x20]  }
0x65: {  	v10 =	vld [tilespmem:$0x0]  }
0x66: {  	v11 =	vld [tilespmem:$0x30]  }
0x67: {  	v12 =	vld [tilespmem:$0xA0]  }
0x68: {  	v57 =	vld [tilespmem:$0x60];
	v1 =	vadd.f32 v1, v2  }
0x69: {  	v58 =	vld [tilespmem:$0x10];
	v3 =	vadd.f32 v3, v4  }
0x6a: {  	v59 =	vld [tilespmem:$0x80];
	v0 =	vadd.f32 v56, v7;
	[tilespmem:$0x170] =	vst v1  }
0x6b: {  	v60 =	vadd.f32 v5, v11;
	[tilespmem:$0x150] =	vst v3  }
0x6c: {  	v61 =	vadd.f32 v12, v9;
	[tilespmem:$0x140] =	vst v0  }
0x6d: {  	v2 =	vadd.f32 v6, v57;
	[tilespmem:$0x130] =	vst v60  }
0x6e: {  	v62 =	vadd.f32 v8, v58;
	[tilespmem:$0x120] =	vst v61  }
0x6f: {  	v63 =	vadd.f32 v59, v10;
	[tilespmem:$0x160] =	vst v2  }
0x70: {  	[tilespmem:$0x110] =	vst v62  }
0x71: {  	[tilespmem:$0x100] =	vst v63  }
0x72: {  	[hbm4b:s4+s2] =	stream.linear.scatter [tilespmem:s5], [sflag:$0x1], $0x80, $0x38;
	[tilespmem:$0x180] =	vst v63  }
0x73: {  	_ =	swait.ge [sflag:s3], $0x80  }
0x74: {  	[sflag:s3] =	ssyncset.done $0x0  }
0x75: {  	[sflag:s3] =	ssyncadd.s32 $0xFFFFFF80  }
0x76: {  	_ =	sfence.sel $0x180000  }
0x77: {  	[bflag:$0x0] =	sbarrier.arrive $0xFFFF  }
0x78: {  	p0 =	sne.s32 s1, $0x0;
	_ =	strace $0x9000004D  }
0x79: {  	s0 =	sadd.s32 @!p0 $0x100000, s0;
	[bflag:$0x2] =	sbarrier.arrive $0xFFFF  }
0x7a: {  	[sflag:s0] =	ssyncadd.tile.s32 @!p0 $0x1;
	_ =	shalt  }
.Lfunc_end2:
_tile_overlayer_lowered:
.L_overlay_start_2:
0x7b: {  	(tag) =	ssettag $0x2  }
0x7c: {  	s0 =	rddreg [dreg:$0x0];
	s2 =	stileid.u32  }
0x7d: {  	s1 =	rddreg [dreg:$0x1];
	p0 =	sne.s32 s2, $0x0  }
0x7e: {  	s3 =	rddreg [dreg:$0x2];
	[bflag:$0x3] =	sbarrier.arrive $0xFFFF;
	s2 =	simm.s32 @!p0 $0x1C01  }
0x7f: {  	[timem:s3], [sflag:s2] =	dma.local @!p0 [hbm:s0], s1  }
0x80: {  	s0 =	simm.s32 @!p0 $0x1  }
0x81: {  	_ =	swait.ge @!p0 [sflag:s0], s1  }
0x82: {  	s1 =	ssub.s32 @!p0 $0x0, s1;
	[sflag:s0] =	ssyncset.done @!p0 $0x0  }
0x83: {  	[sflag:s0] =	ssyncadd.s32 @!p0 s1  }
0x84: {  	[bflag:$0x3] =	sbarrier.arrive $0xFFFF  }
0x85: {  	_ =	shalt  }

</sc_bundles>
